<compile_context>
chip_gen: v7x
topology: tpu7x:2x2x1
jax: 0.10.2.dev20260603
libtpu: 0.0.44.dev20260713+nightly
codegen_flags: <defaults>
</compile_context>

<pallas_src>
import functools

import jax
import jax.numpy as jnp
from jax import lax
from jax.experimental import pallas as pl
from jax.experimental.pallas import tpu as pltpu
from jax.experimental.pallas import tpu_sc as plsc

_NC = 2
_NS = 16
_L = 16
_NW = _NC * _NS

_RB = 8
_HB = _RB // 2


@functools.lru_cache(maxsize=None)
def _make_permute(rows: int, rows_sc: int, dim: int):
    assert rows_sc % _NW == 0 and dim % _L == 0
    rows_per_worker = rows_sc // _NW
    assert rows_per_worker % _RB == 0
    n_batches = rows_per_worker // _RB
    n_cols = dim // _L

    mesh = plsc.VectorSubcoreMesh(core_axis_name="c", subcore_axis_name="s")

    @functools.partial(
        pl.kernel,
        out_type=jax.ShapeDtypeStruct((rows_sc, dim), jnp.float32),
        mesh=mesh,
        compiler_params=pltpu.CompilerParams(needs_layout_passes=False),
        scratch_types=[
            pltpu.VMEM((dim,), jnp.int32),
            pltpu.VMEM((_RB, dim), jnp.float32),
            pltpu.VMEM((_RB, dim), jnp.float32),
            pltpu.VMEM((_HB, dim), jnp.float32),
            pltpu.VMEM((_HB, dim), jnp.float32),
            pltpu.SemaphoreType.DMA,
            pltpu.SemaphoreType.DMA,
            pltpu.SemaphoreType.DMA,
            pltpu.SemaphoreType.DMA,
        ],
    )
    def permute(x_hbm, perm_hbm, out_hbm, perm_v, in_v0, in_v1, out_v0,
                out_v1, in_s0, in_s1, out_s0, out_s1):
        wid = lax.axis_index("s") * _NC + lax.axis_index("c")
        row0 = wid * rows_per_worker
        pltpu.sync_copy(perm_hbm, perm_v)

        in_bufs, out_bufs = (in_v0, in_v1), (out_v0, out_v1)
        in_sems, out_sems = (in_s0, in_s1), (out_s0, out_s1)

        def in_copy(b, p):
            start = row0 + b * _RB
            return pltpu.make_async_copy(
                x_hbm.at[pl.ds(start, _RB)], in_bufs[p], in_sems[p])

        def out_copy(b, h):
            start = row0 + b * _RB + h * _HB
            return pltpu.make_async_copy(
                out_bufs[h], out_hbm.at[pl.ds(start, _HB)], out_sems[h])

        in_copy(0, 0).start()
        in_copy(1, 1).start()

        n_super = n_batches // 2

        def super_body(g, carry):
            for p in range(2):
                b = g * 2 + p
                in_copy(b, p).wait()
                in_v = in_bufs[p]

                for h in range(2):
                    @pl.when(b >= 1)
                    def _wait_out():
                        out_copy(b - 1, h).wait()

                    out_v = out_bufs[h]

                    @plsc.parallel_loop(0, n_cols, 1, unroll=8)
                    def col_body(k):
                        idx = perm_v[pl.ds(k * _L, _L)]
                        for r in range(_HB):
                            row_idx = jnp.full((_L,), h * _HB + r, jnp.int32)
                            vals = plsc.load_gather(in_v, [row_idx, idx])
                            out_v[r, pl.ds(k * _L, _L)] = vals

                    out_copy(b, h).start()

                @pl.when(g + 1 < n_super)
                def _next_in():
                    in_copy(b + 2, p).start()

            return carry

        lax.fori_loop(0, n_super, super_body, 0)
        out_copy(n_batches - 1, 0).wait()
        out_copy(n_batches - 1, 1).wait()

    return permute


@functools.lru_cache(maxsize=None)
def _make_tc_permute(rows: int, rows_tc: int, dim: int,
                     bm: int = 256, bn: int = 1024):
    assert rows_tc % bm == 0 and dim % bn == 0
    blk0 = (rows - rows_tc) // bm
    assert blk0 * bm == rows - rows_tc

    def body(x_ref, p_ref, o_ref):
        x_blk = x_ref[...]
        hi = x_blk.astype(jnp.bfloat16)
        lo = (x_blk - hi.astype(jnp.float32)).astype(jnp.bfloat16)
        p_blk = p_ref[...]
        dn = (((1,), (0,)), ((), ()))
        acc = lax.dot_general(hi, p_blk, dn, preferred_element_type=jnp.float32)
        acc += lax.dot_general(lo, p_blk, dn, preferred_element_type=jnp.float32)
        o_ref[...] = acc

    return pl.pallas_call(
        body,
        grid=(dim // bn, rows_tc // bm),
        in_specs=[
            pl.BlockSpec((bm, dim), lambda j, i: (blk0 + i, 0)),
            pl.BlockSpec((dim, bn), lambda j, i: (0, j)),
        ],
        out_specs=pl.BlockSpec((bm, bn), lambda j, i: (i, j)),
        out_shape=jax.ShapeDtypeStruct((rows_tc, dim), jnp.float32),
        compiler_params=pltpu.CompilerParams(
            vmem_limit_bytes=60 * 1024 * 1024),
    )


_TC_ROWS = 2048


def kernel(x, perm):
    rows, dim = x.shape
    perm = perm.astype(jnp.int32)
    rows_sc = rows - _TC_ROWS
    sc_out = _make_permute(rows, rows_sc, dim)(x, perm)
    pmat = (lax.broadcasted_iota(jnp.int32, (dim, dim), 0)
            == perm[None, :]).astype(jnp.bfloat16)
    tc_out = _make_tc_permute(rows, _TC_ROWS, dim)(x, pmat)
    out = jnp.concatenate([sc_out, tc_out], axis=0)
    return (out, 0)

# --- scband reference (transcript-rebuilt; emitter-appended) ---
"""Pipeline reference for scband-invertible-permutation-61254823575990 (READ-ONLY COPY).

The authoritative reference and input builder live on the scoring server;
editing this copy changes nothing except your own understanding.
"""

import jax, jax.numpy as jnp
import numpy as np

DIM = 4096
ROWS = 16384

def setup_inputs(seed: int = 0) -> dict:
    key = jax.random.key(seed)
    x = jax.random.normal(key, (ROWS, DIM), dtype=jnp.float32)
    # fixed random permutation parameter (non-trainable), as in torch.randperm(dim)
    perm_np = np.random.default_rng(0).permutation(DIM)
    perm = jnp.asarray(perm_np, dtype=jnp.int32)
    return {"x": x, "perm": perm}

def reference(x, perm):
    # forward: x[:, self.perm], returns (permuted, 0) matching the torch module
    out = jnp.take(x, perm, axis=1)
    return (out, 0)

if __name__ == "__main__":
    import jax
    _d = setup_inputs()
    print(jax.jit(kernel)(*tuple(_d.values())))

</pallas_src>

<mosaic_0001>
#map = affine_map<(d0, d1) -> (0, 0)>
#map1 = affine_map<(d0, d1) -> (0)>
module attributes {stable_mosaic.version = 14 : i64} {
  func.func @permute(%arg0: i32, %arg1: i32, %arg2: memref<16384x4096xf32, #tpu.memory_space<hbm>>, %arg3: memref<4096xi32, #tpu.memory_space<hbm>>, %arg4: memref<14336x4096xf32, #tpu.memory_space<hbm>>, %arg5: memref<4096xi32, #tpu.memory_space<vmem>>, %arg6: memref<8x4096xf32, #tpu.memory_space<vmem>>, %arg7: memref<8x4096xf32, #tpu.memory_space<vmem>>, %arg8: memref<4x4096xf32, #tpu.memory_space<vmem>>, %arg9: memref<4x4096xf32, #tpu.memory_space<vmem>>, %arg10: memref<!tpu.dma_semaphore, #tpu.memory_space<semaphore_mem>>, %arg11: memref<!tpu.dma_semaphore, #tpu.memory_space<semaphore_mem>>, %arg12: memref<!tpu.dma_semaphore, #tpu.memory_space<semaphore_mem>>, %arg13: memref<!tpu.dma_semaphore, #tpu.memory_space<semaphore_mem>>) attributes {dimension_semantics = [#tpu.dimension_semantics<core_parallel>, #tpu.dimension_semantics<subcore_parallel>], iteration_bounds = array<i64: 2, 16>, scalar_prefetch = 0 : i64, scratch_operands = 9 : i64, tpu.core_type = #tpu.core_type<sc_vector_subcore>, window_params = [{transform_indices = #map}, {transform_indices = #map1}, {transform_indices = #map}]} {
    %mul3A = arith.constant 2 : i32
    %mul3A_0 = arith.muli %arg1, %mul3A : i32
    %add3A = arith.addi %mul3A_0, %arg0 : i32
    %mul3A_1 = arith.constant 448 : i32
    %mul3A_2 = arith.muli %add3A, %mul3A_1 : i32
    "tpu.region"() ({
      %run_scoped3A = tpu.sem_alloc : memref<!tpu.dma_semaphore, #tpu.memory_space<semaphore_mem>>
      tpu.enqueue_dma source(%arg3 : memref<4096xi32, #tpu.memory_space<hbm>>) target(%arg5 : memref<4096xi32, #tpu.memory_space<vmem>>) target_semaphore(%run_scoped3A : memref<!tpu.dma_semaphore, #tpu.memory_space<semaphore_mem>>)
      tpu.wait_dma2 semaphore(%run_scoped3A : memref<!tpu.dma_semaphore, #tpu.memory_space<semaphore_mem>>) src(%arg3 : memref<4096xi32, #tpu.memory_space<hbm>>) dst(%arg5 : memref<4096xi32, #tpu.memory_space<vmem>>)
      tpu.yield
    }) : () -> ()
    %add3A_3 = arith.constant 0 : i32
    %add3A_4 = arith.addi %mul3A_2, %add3A_3 : i32
    %dma_start3A = arith.constant 0 : i32
    %dma_start3A_5 = tpu.memref_slice %arg2[%add3A_4, %dma_start3A] : memref<16384x4096xf32, #tpu.memory_space<hbm>> -> memref<8x4096xf32, #tpu.memory_space<hbm>>
    %dma_start3A_6 = arith.constant 0 : i32
    %dma_start3A_7 = tpu.memref_slice %arg2[%add3A_4, %dma_start3A_6] : memref<16384x4096xf32, #tpu.memory_space<hbm>> -> memref<8x4096xf32, #tpu.memory_space<hbm>>
    tpu.enqueue_dma source(%dma_start3A_7 : memref<8x4096xf32, #tpu.memory_space<hbm>>) target(%arg6 : memref<8x4096xf32, #tpu.memory_space<vmem>>) target_semaphore(%arg10 : memref<!tpu.dma_semaphore, #tpu.memory_space<semaphore_mem>>)
    %add3A_8 = arith.constant 8 : i32
    %add3A_9 = arith.addi %mul3A_2, %add3A_8 : i32
    %dma_start3A_10 = arith.constant 0 : i32
    %dma_start3A_11 = tpu.memref_slice %arg2[%add3A_9, %dma_start3A_10] : memref<16384x4096xf32, #tpu.memory_space<hbm>> -> memref<8x4096xf32, #tpu.memory_space<hbm>>
    %dma_start3A_12 = arith.constant 0 : i32
    %dma_start3A_13 = tpu.memref_slice %arg2[%add3A_9, %dma_start3A_12] : memref<16384x4096xf32, #tpu.memory_space<hbm>> -> memref<8x4096xf32, #tpu.memory_space<hbm>>
    tpu.enqueue_dma source(%dma_start3A_13 : memref<8x4096xf32, #tpu.memory_space<hbm>>) target(%arg7 : memref<8x4096xf32, #tpu.memory_space<vmem>>) target_semaphore(%arg11 : memref<!tpu.dma_semaphore, #tpu.memory_space<semaphore_mem>>)
    %scan3A = arith.constant 0 : i32
    %scan3A_14 = arith.constant 0 : i32
    %scan3A_15 = arith.constant 28 : i32
    %scan3A_16 = arith.addi %scan3A_14, %scan3A_15 : i32
    %scan3A_17 = arith.constant 1 : i32
    scf.for %scan3A_34 = %scan3A_14 to %scan3A_16 step %scan3A_17  : i32 {
      %mul3A_35 = arith.constant 2 : i32
      %mul3A_36 = arith.muli %scan3A_34, %mul3A_35 : i32
      %add3A_37 = arith.constant 0 : i32
      %add3A_38 = arith.addi %mul3A_36, %add3A_37 : i32
      %mul3A_39 = arith.constant 8 : i32
      %mul3A_40 = arith.muli %add3A_38, %mul3A_39 : i32
      %add3A_41 = arith.addi %mul3A_2, %mul3A_40 : i32
      %dma_wait3A_42 = arith.constant 0 : i32
      %dma_wait3A_43 = tpu.memref_slice %arg2[%add3A_41, %dma_wait3A_42] : memref<16384x4096xf32, #tpu.memory_space<hbm>> -> memref<8x4096xf32, #tpu.memory_space<hbm>>
      %dma_wait3A_44 = arith.constant 0 : i32
      %dma_wait3A_45 = tpu.memref_slice %arg2[%add3A_41, %dma_wait3A_44] : memref<16384x4096xf32, #tpu.memory_space<hbm>> -> memref<8x4096xf32, #tpu.memory_space<hbm>>
      tpu.wait_dma2 semaphore(%arg10 : memref<!tpu.dma_semaphore, #tpu.memory_space<semaphore_mem>>) src(%dma_wait3A_45 : memref<8x4096xf32, #tpu.memory_space<hbm>>) dst(%arg6 : memref<8x4096xf32, #tpu.memory_space<vmem>>)
      %ge3A = arith.constant 1 : i32
      %ge3A_46 = arith.cmpi sge, %add3A_38, %ge3A : i32
      %convert_element_type3A = arith.extui %ge3A_46 : i1 to i32
      %cond3A = arith.constant 0 : i32
      %cond3A_47 = arith.cmpi ne, %convert_element_type3A, %cond3A : i32
      scf.if %cond3A_47 {
        %sub3A = arith.constant 1 : i32
        %sub3A_134 = arith.subi %add3A_38, %sub3A : i32
        %mul3A_135 = arith.constant 8 : i32
        %mul3A_136 = arith.muli %sub3A_134, %mul3A_135 : i32
        %add3A_137 = arith.addi %mul3A_2, %mul3A_136 : i32
        %add3A_138 = arith.constant 0 : i32
        %add3A_139 = arith.addi %add3A_137, %add3A_138 : i32
        %dma_wait3A_140 = arith.constant 0 : i32
        %dma_wait3A_141 = tpu.memref_slice %arg4[%add3A_139, %dma_wait3A_140] : memref<14336x4096xf32, #tpu.memory_space<hbm>> -> memref<4x4096xf32, #tpu.memory_space<hbm>>
        %dma_wait3A_142 = arith.constant 0 : i32
        %dma_wait3A_143 = tpu.memref_slice %arg4[%add3A_139, %dma_wait3A_142] : memref<14336x4096xf32, #tpu.memory_space<hbm>> -> memref<4x4096xf32, #tpu.memory_space<hbm>>
        tpu.wait_dma2 semaphore(%arg12 : memref<!tpu.dma_semaphore, #tpu.memory_space<semaphore_mem>>) src(%arg8 : memref<4x4096xf32, #tpu.memory_space<vmem>>) dst(%dma_wait3A_143 : memref<4x4096xf32, #tpu.memory_space<hbm>>)
      } else {
      }
      %parallel_loop3A = arith.constant 0 : i32
      %parallel_loop3A_48 = arith.constant 256 : i32
      %parallel_loop3A_49 = arith.constant 1 : i32
      scf.for %parallel_loop3A_134 = %parallel_loop3A to %parallel_loop3A_48 step %parallel_loop3A_49  : i32 {
        %parallel_loop3A_135 = arith.constant 16 : i32
        %parallel_loop3A_136 = arith.muli %parallel_loop3A_134, %parallel_loop3A_135 : i32
        %parallel_loop3A_137 = arith.index_cast %parallel_loop3A_136 : i32 to index
        %parallel_loop3A_138 = tpu.vector_load %arg5[%parallel_loop3A_137] {strides = array<i32>} : memref<4096xi32, #tpu.memory_space<vmem>>, vector<16xi32>,
        %parallel_loop3A_139 = arith.constant 0 : i32
        %parallel_loop3A_140 = vector.broadcast %parallel_loop3A_139 : i32 to vector<16xi32>
        %parallel_loop3A_141 = tpu.vector_load_idx %arg6[%parallel_loop3A_140, %parallel_loop3A_138] : memref<8x4096xf32, #tpu.memory_space<vmem>>[vector<16xi32>, vector<16xi32>], vector<16xf32>,
        %parallel_loop3A_142 = arith.constant 16 : i32
        %parallel_loop3A_143 = arith.muli %parallel_loop3A_134, %parallel_loop3A_142 : i32
        %parallel_loop3A_144 = arith.constant 0 : i32
        %parallel_loop3A_145 = arith.index_cast %parallel_loop3A_144 : i32 to index
        %parallel_loop3A_146 = arith.index_cast %parallel_loop3A_143 : i32 to index
        %parallel_loop3A_147 = tpu.vector_load %arg8[%parallel_loop3A_145, %parallel_loop3A_146] {strides = array<i32>} : memref<4x4096xf32, #tpu.memory_space<vmem>>, vector<16xf32>,
        tpu.vector_store %arg8[%parallel_loop3A_145, %parallel_loop3A_146], %parallel_loop3A_141 {strides = array<i32>} : memref<4x4096xf32, #tpu.memory_space<vmem>>, vector<16xf32>,
        %parallel_loop3A_148 = arith.constant 1 : i32
        %parallel_loop3A_149 = vector.broadcast %parallel_loop3A_148 : i32 to vector<16xi32>
        %parallel_loop3A_150 = tpu.vector_load_idx %arg6[%parallel_loop3A_149, %parallel_loop3A_138] : memref<8x4096xf32, #tpu.memory_space<vmem>>[vector<16xi32>, vector<16xi32>], vector<16xf32>,
        %parallel_loop3A_151 = arith.constant 16 : i32
        %parallel_loop3A_152 = arith.muli %parallel_loop3A_134, %parallel_loop3A_151 : i32
        %parallel_loop3A_153 = arith.constant 1 : i32
        %parallel_loop3A_154 = arith.index_cast %parallel_loop3A_153 : i32 to index
        %parallel_loop3A_155 = arith.index_cast %parallel_loop3A_152 : i32 to index
        %parallel_loop3A_156 = tpu.vector_load %arg8[%parallel_loop3A_154, %parallel_loop3A_155] {strides = array<i32>} : memref<4x4096xf32, #tpu.memory_space<vmem>>, vector<16xf32>,
        tpu.vector_store %arg8[%parallel_loop3A_154, %parallel_loop3A_155], %parallel_loop3A_150 {strides = array<i32>} : memref<4x4096xf32, #tpu.memory_space<vmem>>, vector<16xf32>,
        %parallel_loop3A_157 = arith.constant 2 : i32
        %parallel_loop3A_158 = vector.broadcast %parallel_loop3A_157 : i32 to vector<16xi32>
        %parallel_loop3A_159 = tpu.vector_load_idx %arg6[%parallel_loop3A_158, %parallel_loop3A_138] : memref<8x4096xf32, #tpu.memory_space<vmem>>[vector<16xi32>, vector<16xi32>], vector<16xf32>,
        %parallel_loop3A_160 = arith.constant 16 : i32
        %parallel_loop3A_161 = arith.muli %parallel_loop3A_134, %parallel_loop3A_160 : i32
        %parallel_loop3A_162 = arith.constant 2 : i32
        %parallel_loop3A_163 = arith.index_cast %parallel_loop3A_162 : i32 to index
        %parallel_loop3A_164 = arith.index_cast %parallel_loop3A_161 : i32 to index
        %parallel_loop3A_165 = tpu.vector_load %arg8[%parallel_loop3A_163, %parallel_loop3A_164] {strides = array<i32>} : memref<4x4096xf32, #tpu.memory_space<vmem>>, vector<16xf32>,
        tpu.vector_store %arg8[%parallel_loop3A_163, %parallel_loop3A_164], %parallel_loop3A_159 {strides = array<i32>} : memref<4x4096xf32, #tpu.memory_space<vmem>>, vector<16xf32>,
        %parallel_loop3A_166 = arith.constant 3 : i32
        %parallel_loop3A_167 = vector.broadcast %parallel_loop3A_166 : i32 to vector<16xi32>
        %parallel_loop3A_168 = tpu.vector_load_idx %arg6[%parallel_loop3A_167, %parallel_loop3A_138] : memref<8x4096xf32, #tpu.memory_space<vmem>>[vector<16xi32>, vector<16xi32>], vector<16xf32>,
        %parallel_loop3A_169 = arith.constant 16 : i32
        %parallel_loop3A_170 = arith.muli %parallel_loop3A_134, %parallel_loop3A_169 : i32
        %parallel_loop3A_171 = arith.constant 3 : i32
        %parallel_loop3A_172 = arith.index_cast %parallel_loop3A_171 : i32 to index
        %parallel_loop3A_173 = arith.index_cast %parallel_loop3A_170 : i32 to index
        %parallel_loop3A_174 = tpu.vector_load %arg8[%parallel_loop3A_172, %parallel_loop3A_173] {strides = array<i32>} : memref<4x4096xf32, #tpu.memory_space<vmem>>, vector<16xf32>,
        tpu.vector_store %arg8[%parallel_loop3A_172, %parallel_loop3A_173], %parallel_loop3A_168 {strides = array<i32>} : memref<4x4096xf32, #tpu.memory_space<vmem>>, vector<16xf32>,
      } {sc.loop_unroll_factor = 8 : i64, sc.parallel_access}
      %mul3A_50 = arith.constant 8 : i32
      %mul3A_51 = arith.muli %add3A_38, %mul3A_50 : i32
      %add3A_52 = arith.addi %mul3A_2, %mul3A_51 : i32
      %add3A_53 = arith.constant 0 : i32
      %add3A_54 = arith.addi %add3A_52, %add3A_53 : i32
      %dma_start3A_55 = arith.constant 0 : i32
      %dma_start3A_56 = tpu.memref_slice %arg4[%add3A_54, %dma_start3A_55] : memref<14336x4096xf32, #tpu.memory_space<hbm>> -> memref<4x4096xf32, #tpu.memory_space<hbm>>
      %dma_start3A_57 = arith.constant 0 : i32
      %dma_start3A_58 = tpu.memref_slice %arg4[%add3A_54, %dma_start3A_57] : memref<14336x4096xf32, #tpu.memory_space<hbm>> -> memref<4x4096xf32, #tpu.memory_space<hbm>>
      tpu.enqueue_dma source(%arg8 : memref<4x4096xf32, #tpu.memory_space<vmem>>) target(%dma_start3A_58 : memref<4x4096xf32, #tpu.memory_space<hbm>>) target_semaphore(%arg12 : memref<!tpu.dma_semaphore, #tpu.memory_space<semaphore_mem>>)
      %ge3A_59 = arith.constant 1 : i32
      %ge3A_60 = arith.cmpi sge, %add3A_38, %ge3A_59 : i32
      %convert_element_type3A_61 = arith.extui %ge3A_60 : i1 to i32
      %cond3A_62 = arith.constant 0 : i32
      %cond3A_63 = arith.cmpi ne, %convert_element_type3A_61, %cond3A_62 : i32
      scf.if %cond3A_63 {
        %sub3A = arith.constant 1 : i32
        %sub3A_134 = arith.subi %add3A_38, %sub3A : i32
        %mul3A_135 = arith.constant 8 : i32
        %mul3A_136 = arith.muli %sub3A_134, %mul3A_135 : i32
        %add3A_137 = arith.addi %mul3A_2, %mul3A_136 : i32
        %add3A_138 = arith.constant 4 : i32
        %add3A_139 = arith.addi %add3A_137, %add3A_138 : i32
        %dma_wait3A_140 = arith.constant 0 : i32
        %dma_wait3A_141 = tpu.memref_slice %arg4[%add3A_139, %dma_wait3A_140] : memref<14336x4096xf32, #tpu.memory_space<hbm>> -> memref<4x4096xf32, #tpu.memory_space<hbm>>
        %dma_wait3A_142 = arith.constant 0 : i32
        %dma_wait3A_143 = tpu.memref_slice %arg4[%add3A_139, %dma_wait3A_142] : memref<14336x4096xf32, #tpu.memory_space<hbm>> -> memref<4x4096xf32, #tpu.memory_space<hbm>>
        tpu.wait_dma2 semaphore(%arg13 : memref<!tpu.dma_semaphore, #tpu.memory_space<semaphore_mem>>) src(%arg9 : memref<4x4096xf32, #tpu.memory_space<vmem>>) dst(%dma_wait3A_143 : memref<4x4096xf32, #tpu.memory_space<hbm>>)
      } else {
      }
      %parallel_loop3A_64 = arith.constant 0 : i32
      %parallel_loop3A_65 = arith.constant 256 : i32
      %parallel_loop3A_66 = arith.constant 1 : i32
      scf.for %parallel_loop3A_134 = %parallel_loop3A_64 to %parallel_loop3A_65 step %parallel_loop3A_66  : i32 {
        %parallel_loop3A_135 = arith.constant 16 : i32
        %parallel_loop3A_136 = arith.muli %parallel_loop3A_134, %parallel_loop3A_135 : i32
        %parallel_loop3A_137 = arith.index_cast %parallel_loop3A_136 : i32 to index
        %parallel_loop3A_138 = tpu.vector_load %arg5[%parallel_loop3A_137] {strides = array<i32>} : memref<4096xi32, #tpu.memory_space<vmem>>, vector<16xi32>,
        %parallel_loop3A_139 = arith.constant 4 : i32
        %parallel_loop3A_140 = vector.broadcast %parallel_loop3A_139 : i32 to vector<16xi32>
        %parallel_loop3A_141 = tpu.vector_load_idx %arg6[%parallel_loop3A_140, %parallel_loop3A_138] : memref<8x4096xf32, #tpu.memory_space<vmem>>[vector<16xi32>, vector<16xi32>], vector<16xf32>,
        %parallel_loop3A_142 = arith.constant 16 : i32
        %parallel_loop3A_143 = arith.muli %parallel_loop3A_134, %parallel_loop3A_142 : i32
        %parallel_loop3A_144 = arith.constant 0 : i32
        %parallel_loop3A_145 = arith.index_cast %parallel_loop3A_144 : i32 to index
        %parallel_loop3A_146 = arith.index_cast %parallel_loop3A_143 : i32 to index
        %parallel_loop3A_147 = tpu.vector_load %arg9[%parallel_loop3A_145, %parallel_loop3A_146] {strides = array<i32>} : memref<4x4096xf32, #tpu.memory_space<vmem>>, vector<16xf32>,
        tpu.vector_store %arg9[%parallel_loop3A_145, %parallel_loop3A_146], %parallel_loop3A_141 {strides = array<i32>} : memref<4x4096xf32, #tpu.memory_space<vmem>>, vector<16xf32>,
        %parallel_loop3A_148 = arith.constant 5 : i32
        %parallel_loop3A_149 = vector.broadcast %parallel_loop3A_148 : i32 to vector<16xi32>
        %parallel_loop3A_150 = tpu.vector_load_idx %arg6[%parallel_loop3A_149, %parallel_loop3A_138] : memref<8x4096xf32, #tpu.memory_space<vmem>>[vector<16xi32>, vector<16xi32>], vector<16xf32>,
        %parallel_loop3A_151 = arith.constant 16 : i32
        %parallel_loop3A_152 = arith.muli %parallel_loop3A_134, %parallel_loop3A_151 : i32
        %parallel_loop3A_153 = arith.constant 1 : i32
        %parallel_loop3A_154 = arith.index_cast %parallel_loop3A_153 : i32 to index
        %parallel_loop3A_155 = arith.index_cast %parallel_loop3A_152 : i32 to index
        %parallel_loop3A_156 = tpu.vector_load %arg9[%parallel_loop3A_154, %parallel_loop3A_155] {strides = array<i32>} : memref<4x4096xf32, #tpu.memory_space<vmem>>, vector<16xf32>,
        tpu.vector_store %arg9[%parallel_loop3A_154, %parallel_loop3A_155], %parallel_loop3A_150 {strides = array<i32>} : memref<4x4096xf32, #tpu.memory_space<vmem>>, vector<16xf32>,
        %parallel_loop3A_157 = arith.constant 6 : i32
        %parallel_loop3A_158 = vector.broadcast %parallel_loop3A_157 : i32 to vector<16xi32>
        %parallel_loop3A_159 = tpu.vector_load_idx %arg6[%parallel_loop3A_158, %parallel_loop3A_138] : memref<8x4096xf32, #tpu.memory_space<vmem>>[vector<16xi32>, vector<16xi32>], vector<16xf32>,
        %parallel_loop3A_160 = arith.constant 16 : i32
        %parallel_loop3A_161 = arith.muli %parallel_loop3A_134, %parallel_loop3A_160 : i32
        %parallel_loop3A_162 = arith.constant 2 : i32
        %parallel_loop3A_163 = arith.index_cast %parallel_loop3A_162 : i32 to index
        %parallel_loop3A_164 = arith.index_cast %parallel_loop3A_161 : i32 to index
        %parallel_loop3A_165 = tpu.vector_load %arg9[%parallel_loop3A_163, %parallel_loop3A_164] {strides = array<i32>} : memref<4x4096xf32, #tpu.memory_space<vmem>>, vector<16xf32>,
        tpu.vector_store %arg9[%parallel_loop3A_163, %parallel_loop3A_164], %parallel_loop3A_159 {strides = array<i32>} : memref<4x4096xf32, #tpu.memory_space<vmem>>, vector<16xf32>,
        %parallel_loop3A_166 = arith.constant 7 : i32
        %parallel_loop3A_167 = vector.broadcast %parallel_loop3A_166 : i32 to vector<16xi32>
        %parallel_loop3A_168 = tpu.vector_load_idx %arg6[%parallel_loop3A_167, %parallel_loop3A_138] : memref<8x4096xf32, #tpu.memory_space<vmem>>[vector<16xi32>, vector<16xi32>], vector<16xf32>,
        %parallel_loop3A_169 = arith.constant 16 : i32
        %parallel_loop3A_170 = arith.muli %parallel_loop3A_134, %parallel_loop3A_169 : i32
        %parallel_loop3A_171 = arith.constant 3 : i32
        %parallel_loop3A_172 = arith.index_cast %parallel_loop3A_171 : i32 to index
        %parallel_loop3A_173 = arith.index_cast %parallel_loop3A_170 : i32 to index
        %parallel_loop3A_174 = tpu.vector_load %arg9[%parallel_loop3A_172, %parallel_loop3A_173] {strides = array<i32>} : memref<4x4096xf32, #tpu.memory_space<vmem>>, vector<16xf32>,
        tpu.vector_store %arg9[%parallel_loop3A_172, %parallel_loop3A_173], %parallel_loop3A_168 {strides = array<i32>} : memref<4x4096xf32, #tpu.memory_space<vmem>>, vector<16xf32>,
      } {sc.loop_unroll_factor = 8 : i64, sc.parallel_access}
      %mul3A_67 = arith.constant 8 : i32
      %mul3A_68 = arith.muli %add3A_38, %mul3A_67 : i32
      %add3A_69 = arith.addi %mul3A_2, %mul3A_68 : i32
      %add3A_70 = arith.constant 4 : i32
      %add3A_71 = arith.addi %add3A_69, %add3A_70 : i32
      %dma_start3A_72 = arith.constant 0 : i32
      %dma_start3A_73 = tpu.memref_slice %arg4[%add3A_71, %dma_start3A_72] : memref<14336x4096xf32, #tpu.memory_space<hbm>> -> memref<4x4096xf32, #tpu.memory_space<hbm>>
      %dma_start3A_74 = arith.constant 0 : i32
      %dma_start3A_75 = tpu.memref_slice %arg4[%add3A_71, %dma_start3A_74] : memref<14336x4096xf32, #tpu.memory_space<hbm>> -> memref<4x4096xf32, #tpu.memory_space<hbm>>
      tpu.enqueue_dma source(%arg9 : memref<4x4096xf32, #tpu.memory_space<vmem>>) target(%dma_start3A_75 : memref<4x4096xf32, #tpu.memory_space<hbm>>) target_semaphore(%arg13 : memref<!tpu.dma_semaphore, #tpu.memory_space<semaphore_mem>>)
      %add3A_76 = arith.constant 1 : i32
      %add3A_77 = arith.addi %scan3A_34, %add3A_76 : i32
      %lt3A = arith.constant 28 : i32
      %lt3A_78 = arith.cmpi slt, %add3A_77, %lt3A : i32
      %convert_element_type3A_79 = arith.extui %lt3A_78 : i1 to i32
      %cond3A_80 = arith.constant 0 : i32
      %cond3A_81 = arith.cmpi ne, %convert_element_type3A_79, %cond3A_80 : i32
      scf.if %cond3A_81 {
        %add3A_134 = arith.constant 2 : i32
        %add3A_135 = arith.addi %add3A_38, %add3A_134 : i32
        %mul3A_136 = arith.constant 8 : i32
        %mul3A_137 = arith.muli %add3A_135, %mul3A_136 : i32
        %add3A_138 = arith.addi %mul3A_2, %mul3A_137 : i32
        %dma_start3A_139 = arith.constant 0 : i32
        %dma_start3A_140 = tpu.memref_slice %arg2[%add3A_138, %dma_start3A_139] : memref<16384x4096xf32, #tpu.memory_space<hbm>> -> memref<8x4096xf32, #tpu.memory_space<hbm>>
        %dma_start3A_141 = arith.constant 0 : i32
        %dma_start3A_142 = tpu.memref_slice %arg2[%add3A_138, %dma_start3A_141] : memref<16384x4096xf32, #tpu.memory_space<hbm>> -> memref<8x4096xf32, #tpu.memory_space<hbm>>
        tpu.enqueue_dma source(%dma_start3A_142 : memref<8x4096xf32, #tpu.memory_space<hbm>>) target(%arg6 : memref<8x4096xf32, #tpu.memory_space<vmem>>) target_semaphore(%arg10 : memref<!tpu.dma_semaphore, #tpu.memory_space<semaphore_mem>>)
      } else {
      }
      %mul3A_82 = arith.constant 2 : i32
      %mul3A_83 = arith.muli %scan3A_34, %mul3A_82 : i32
      %add3A_84 = arith.constant 1 : i32
      %add3A_85 = arith.addi %mul3A_83, %add3A_84 : i32
      %mul3A_86 = arith.constant 8 : i32
      %mul3A_87 = arith.muli %add3A_85, %mul3A_86 : i32
      %add3A_88 = arith.addi %mul3A_2, %mul3A_87 : i32
      %dma_wait3A_89 = arith.constant 0 : i32
      %dma_wait3A_90 = tpu.memref_slice %arg2[%add3A_88, %dma_wait3A_89] : memref<16384x4096xf32, #tpu.memory_space<hbm>> -> memref<8x4096xf32, #tpu.memory_space<hbm>>
      %dma_wait3A_91 = arith.constant 0 : i32
      %dma_wait3A_92 = tpu.memref_slice %arg2[%add3A_88, %dma_wait3A_91] : memref<16384x4096xf32, #tpu.memory_space<hbm>> -> memref<8x4096xf32, #tpu.memory_space<hbm>>
      tpu.wait_dma2 semaphore(%arg11 : memref<!tpu.dma_semaphore, #tpu.memory_space<semaphore_mem>>) src(%dma_wait3A_92 : memref<8x4096xf32, #tpu.memory_space<hbm>>) dst(%arg7 : memref<8x4096xf32, #tpu.memory_space<vmem>>)
      %ge3A_93 = arith.constant 1 : i32
      %ge3A_94 = arith.cmpi sge, %add3A_85, %ge3A_93 : i32
      %convert_element_type3A_95 = arith.extui %ge3A_94 : i1 to i32
      %cond3A_96 = arith.constant 0 : i32
      %cond3A_97 = arith.cmpi ne, %convert_element_type3A_95, %cond3A_96 : i32
      scf.if %cond3A_97 {
        %sub3A = arith.constant 1 : i32
        %sub3A_134 = arith.subi %add3A_85, %sub3A : i32
        %mul3A_135 = arith.constant 8 : i32
        %mul3A_136 = arith.muli %sub3A_134, %mul3A_135 : i32
        %add3A_137 = arith.addi %mul3A_2, %mul3A_136 : i32
        %add3A_138 = arith.constant 0 : i32
        %add3A_139 = arith.addi %add3A_137, %add3A_138 : i32
        %dma_wait3A_140 = arith.constant 0 : i32
        %dma_wait3A_141 = tpu.memref_slice %arg4[%add3A_139, %dma_wait3A_140] : memref<14336x4096xf32, #tpu.memory_space<hbm>> -> memref<4x4096xf32, #tpu.memory_space<hbm>>
        %dma_wait3A_142 = arith.constant 0 : i32
        %dma_wait3A_143 = tpu.memref_slice %arg4[%add3A_139, %dma_wait3A_142] : memref<14336x4096xf32, #tpu.memory_space<hbm>> -> memref<4x4096xf32, #tpu.memory_space<hbm>>
        tpu.wait_dma2 semaphore(%arg12 : memref<!tpu.dma_semaphore, #tpu.memory_space<semaphore_mem>>) src(%arg8 : memref<4x4096xf32, #tpu.memory_space<vmem>>) dst(%dma_wait3A_143 : memref<4x4096xf32, #tpu.memory_space<hbm>>)
      } else {
      }
      %parallel_loop3A_98 = arith.constant 0 : i32
      %parallel_loop3A_99 = arith.constant 256 : i32
      %parallel_loop3A_100 = arith.constant 1 : i32
      scf.for %parallel_loop3A_134 = %parallel_loop3A_98 to %parallel_loop3A_99 step %parallel_loop3A_100  : i32 {
        %parallel_loop3A_135 = arith.constant 16 : i32
        %parallel_loop3A_136 = arith.muli %parallel_loop3A_134, %parallel_loop3A_135 : i32
        %parallel_loop3A_137 = arith.index_cast %parallel_loop3A_136 : i32 to index
        %parallel_loop3A_138 = tpu.vector_load %arg5[%parallel_loop3A_137] {strides = array<i32>} : memref<4096xi32, #tpu.memory_space<vmem>>, vector<16xi32>,
        %parallel_loop3A_139 = arith.constant 0 : i32
        %parallel_loop3A_140 = vector.broadcast %parallel_loop3A_139 : i32 to vector<16xi32>
        %parallel_loop3A_141 = tpu.vector_load_idx %arg7[%parallel_loop3A_140, %parallel_loop3A_138] : memref<8x4096xf32, #tpu.memory_space<vmem>>[vector<16xi32>, vector<16xi32>], vector<16xf32>,
        %parallel_loop3A_142 = arith.constant 16 : i32
        %parallel_loop3A_143 = arith.muli %parallel_loop3A_134, %parallel_loop3A_142 : i32
        %parallel_loop3A_144 = arith.constant 0 : i32
        %parallel_loop3A_145 = arith.index_cast %parallel_loop3A_144 : i32 to index
        %parallel_loop3A_146 = arith.index_cast %parallel_loop3A_143 : i32 to index
        %parallel_loop3A_147 = tpu.vector_load %arg8[%parallel_loop3A_145, %parallel_loop3A_146] {strides = array<i32>} : memref<4x4096xf32, #tpu.memory_space<vmem>>, vector<16xf32>,
        tpu.vector_store %arg8[%parallel_loop3A_145, %parallel_loop3A_146], %parallel_loop3A_141 {strides = array<i32>} : memref<4x4096xf32, #tpu.memory_space<vmem>>, vector<16xf32>,
        %parallel_loop3A_148 = arith.constant 1 : i32
        %parallel_loop3A_149 = vector.broadcast %parallel_loop3A_148 : i32 to vector<16xi32>
        %parallel_loop3A_150 = tpu.vector_load_idx %arg7[%parallel_loop3A_149, %parallel_loop3A_138] : memref<8x4096xf32, #tpu.memory_space<vmem>>[vector<16xi32>, vector<16xi32>], vector<16xf32>,
        %parallel_loop3A_151 = arith.constant 16 : i32
        %parallel_loop3A_152 = arith.muli %parallel_loop3A_134, %parallel_loop3A_151 : i32
        %parallel_loop3A_153 = arith.constant 1 : i32
        %parallel_loop3A_154 = arith.index_cast %parallel_loop3A_153 : i32 to index
        %parallel_loop3A_155 = arith.index_cast %parallel_loop3A_152 : i32 to index
        %parallel_loop3A_156 = tpu.vector_load %arg8[%parallel_loop3A_154, %parallel_loop3A_155] {strides = array<i32>} : memref<4x4096xf32, #tpu.memory_space<vmem>>, vector<16xf32>,
        tpu.vector_store %arg8[%parallel_loop3A_154, %parallel_loop3A_155], %parallel_loop3A_150 {strides = array<i32>} : memref<4x4096xf32, #tpu.memory_space<vmem>>, vector<16xf32>,
        %parallel_loop3A_157 = arith.constant 2 : i32
        %parallel_loop3A_158 = vector.broadcast %parallel_loop3A_157 : i32 to vector<16xi32>
        %parallel_loop3A_159 = tpu.vector_load_idx %arg7[%parallel_loop3A_158, %parallel_loop3A_138] : memref<8x4096xf32, #tpu.memory_space<vmem>>[vector<16xi32>, vector<16xi32>], vector<16xf32>,
        %parallel_loop3A_160 = arith.constant 16 : i32
        %parallel_loop3A_161 = arith.muli %parallel_loop3A_134, %parallel_loop3A_160 : i32
        %parallel_loop3A_162 = arith.constant 2 : i32
        %parallel_loop3A_163 = arith.index_cast %parallel_loop3A_162 : i32 to index
        %parallel_loop3A_164 = arith.index_cast %parallel_loop3A_161 : i32 to index
        %parallel_loop3A_165 = tpu.vector_load %arg8[%parallel_loop3A_163, %parallel_loop3A_164] {strides = array<i32>} : memref<4x4096xf32, #tpu.memory_space<vmem>>, vector<16xf32>,
        tpu.vector_store %arg8[%parallel_loop3A_163, %parallel_loop3A_164], %parallel_loop3A_159 {strides = array<i32>} : memref<4x4096xf32, #tpu.memory_space<vmem>>, vector<16xf32>,
        %parallel_loop3A_166 = arith.constant 3 : i32
        %parallel_loop3A_167 = vector.broadcast %parallel_loop3A_166 : i32 to vector<16xi32>
        %parallel_loop3A_168 = tpu.vector_load_idx %arg7[%parallel_loop3A_167, %parallel_loop3A_138] : memref<8x4096xf32, #tpu.memory_space<vmem>>[vector<16xi32>, vector<16xi32>], vector<16xf32>,
        %parallel_loop3A_169 = arith.constant 16 : i32
        %parallel_loop3A_170 = arith.muli %parallel_loop3A_134, %parallel_loop3A_169 : i32
        %parallel_loop3A_171 = arith.constant 3 : i32
        %parallel_loop3A_172 = arith.index_cast %parallel_loop3A_171 : i32 to index
        %parallel_loop3A_173 = arith.index_cast %parallel_loop3A_170 : i32 to index
        %parallel_loop3A_174 = tpu.vector_load %arg8[%parallel_loop3A_172, %parallel_loop3A_173] {strides = array<i32>} : memref<4x4096xf32, #tpu.memory_space<vmem>>, vector<16xf32>,
        tpu.vector_store %arg8[%parallel_loop3A_172, %parallel_loop3A_173], %parallel_loop3A_168 {strides = array<i32>} : memref<4x4096xf32, #tpu.memory_space<vmem>>, vector<16xf32>,
      } {sc.loop_unroll_factor = 8 : i64, sc.parallel_access}
      %mul3A_101 = arith.constant 8 : i32
      %mul3A_102 = arith.muli %add3A_85, %mul3A_101 : i32
      %add3A_103 = arith.addi %mul3A_2, %mul3A_102 : i32
      %add3A_104 = arith.constant 0 : i32
      %add3A_105 = arith.addi %add3A_103, %add3A_104 : i32
      %dma_start3A_106 = arith.constant 0 : i32
      %dma_start3A_107 = tpu.memref_slice %arg4[%add3A_105, %dma_start3A_106] : memref<14336x4096xf32, #tpu.memory_space<hbm>> -> memref<4x4096xf32, #tpu.memory_space<hbm>>
      %dma_start3A_108 = arith.constant 0 : i32
      %dma_start3A_109 = tpu.memref_slice %arg4[%add3A_105, %dma_start3A_108] : memref<14336x4096xf32, #tpu.memory_space<hbm>> -> memref<4x4096xf32, #tpu.memory_space<hbm>>
      tpu.enqueue_dma source(%arg8 : memref<4x4096xf32, #tpu.memory_space<vmem>>) target(%dma_start3A_109 : memref<4x4096xf32, #tpu.memory_space<hbm>>) target_semaphore(%arg12 : memref<!tpu.dma_semaphore, #tpu.memory_space<semaphore_mem>>)
      %ge3A_110 = arith.constant 1 : i32
      %ge3A_111 = arith.cmpi sge, %add3A_85, %ge3A_110 : i32
      %convert_element_type3A_112 = arith.extui %ge3A_111 : i1 to i32
      %cond3A_113 = arith.constant 0 : i32
      %cond3A_114 = arith.cmpi ne, %convert_element_type3A_112, %cond3A_113 : i32
      scf.if %cond3A_114 {
        %sub3A = arith.constant 1 : i32
        %sub3A_134 = arith.subi %add3A_85, %sub3A : i32
        %mul3A_135 = arith.constant 8 : i32
        %mul3A_136 = arith.muli %sub3A_134, %mul3A_135 : i32
        %add3A_137 = arith.addi %mul3A_2, %mul3A_136 : i32
        %add3A_138 = arith.constant 4 : i32
        %add3A_139 = arith.addi %add3A_137, %add3A_138 : i32
        %dma_wait3A_140 = arith.constant 0 : i32
        %dma_wait3A_141 = tpu.memref_slice %arg4[%add3A_139, %dma_wait3A_140] : memref<14336x4096xf32, #tpu.memory_space<hbm>> -> memref<4x4096xf32, #tpu.memory_space<hbm>>
        %dma_wait3A_142 = arith.constant 0 : i32
        %dma_wait3A_143 = tpu.memref_slice %arg4[%add3A_139, %dma_wait3A_142] : memref<14336x4096xf32, #tpu.memory_space<hbm>> -> memref<4x4096xf32, #tpu.memory_space<hbm>>
        tpu.wait_dma2 semaphore(%arg13 : memref<!tpu.dma_semaphore, #tpu.memory_space<semaphore_mem>>) src(%arg9 : memref<4x4096xf32, #tpu.memory_space<vmem>>) dst(%dma_wait3A_143 : memref<4x4096xf32, #tpu.memory_space<hbm>>)
      } else {
      }
      %parallel_loop3A_115 = arith.constant 0 : i32
      %parallel_loop3A_116 = arith.constant 256 : i32
      %parallel_loop3A_117 = arith.constant 1 : i32
      scf.for %parallel_loop3A_134 = %parallel_loop3A_115 to %parallel_loop3A_116 step %parallel_loop3A_117  : i32 {
        %parallel_loop3A_135 = arith.constant 16 : i32
        %parallel_loop3A_136 = arith.muli %parallel_loop3A_134, %parallel_loop3A_135 : i32
        %parallel_loop3A_137 = arith.index_cast %parallel_loop3A_136 : i32 to index
        %parallel_loop3A_138 = tpu.vector_load %arg5[%parallel_loop3A_137] {strides = array<i32>} : memref<4096xi32, #tpu.memory_space<vmem>>, vector<16xi32>,
        %parallel_loop3A_139 = arith.constant 4 : i32
        %parallel_loop3A_140 = vector.broadcast %parallel_loop3A_139 : i32 to vector<16xi32>
        %parallel_loop3A_141 = tpu.vector_load_idx %arg7[%parallel_loop3A_140, %parallel_loop3A_138] : memref<8x4096xf32, #tpu.memory_space<vmem>>[vector<16xi32>, vector<16xi32>], vector<16xf32>,
        %parallel_loop3A_142 = arith.constant 16 : i32
        %parallel_loop3A_143 = arith.muli %parallel_loop3A_134, %parallel_loop3A_142 : i32
        %parallel_loop3A_144 = arith.constant 0 : i32
        %parallel_loop3A_145 = arith.index_cast %parallel_loop3A_144 : i32 to index
        %parallel_loop3A_146 = arith.index_cast %parallel_loop3A_143 : i32 to index
        %parallel_loop3A_147 = tpu.vector_load %arg9[%parallel_loop3A_145, %parallel_loop3A_146] {strides = array<i32>} : memref<4x4096xf32, #tpu.memory_space<vmem>>, vector<16xf32>,
        tpu.vector_store %arg9[%parallel_loop3A_145, %parallel_loop3A_146], %parallel_loop3A_141 {strides = array<i32>} : memref<4x4096xf32, #tpu.memory_space<vmem>>, vector<16xf32>,
        %parallel_loop3A_148 = arith.constant 5 : i32
        %parallel_loop3A_149 = vector.broadcast %parallel_loop3A_148 : i32 to vector<16xi32>
        %parallel_loop3A_150 = tpu.vector_load_idx %arg7[%parallel_loop3A_149, %parallel_loop3A_138] : memref<8x4096xf32, #tpu.memory_space<vmem>>[vector<16xi32>, vector<16xi32>], vector<16xf32>,
        %parallel_loop3A_151 = arith.constant 16 : i32
        %parallel_loop3A_152 = arith.muli %parallel_loop3A_134, %parallel_loop3A_151 : i32
        %parallel_loop3A_153 = arith.constant 1 : i32
        %parallel_loop3A_154 = arith.index_cast %parallel_loop3A_153 : i32 to index
        %parallel_loop3A_155 = arith.index_cast %parallel_loop3A_152 : i32 to index
        %parallel_loop3A_156 = tpu.vector_load %arg9[%parallel_loop3A_154, %parallel_loop3A_155] {strides = array<i32>} : memref<4x4096xf32, #tpu.memory_space<vmem>>, vector<16xf32>,
        tpu.vector_store %arg9[%parallel_loop3A_154, %parallel_loop3A_155], %parallel_loop3A_150 {strides = array<i32>} : memref<4x4096xf32, #tpu.memory_space<vmem>>, vector<16xf32>,
        %parallel_loop3A_157 = arith.constant 6 : i32
        %parallel_loop3A_158 = vector.broadcast %parallel_loop3A_157 : i32 to vector<16xi32>
        %parallel_loop3A_159 = tpu.vector_load_idx %arg7[%parallel_loop3A_158, %parallel_loop3A_138] : memref<8x4096xf32, #tpu.memory_space<vmem>>[vector<16xi32>, vector<16xi32>], vector<16xf32>,
        %parallel_loop3A_160 = arith.constant 16 : i32
        %parallel_loop3A_161 = arith.muli %parallel_loop3A_134, %parallel_loop3A_160 : i32
        %parallel_loop3A_162 = arith.constant 2 : i32
        %parallel_loop3A_163 = arith.index_cast %parallel_loop3A_162 : i32 to index
        %parallel_loop3A_164 = arith.index_cast %parallel_loop3A_161 : i32 to index
        %parallel_loop3A_165 = tpu.vector_load %arg9[%parallel_loop3A_163, %parallel_loop3A_164] {strides = array<i32>} : memref<4x4096xf32, #tpu.memory_space<vmem>>, vector<16xf32>,
        tpu.vector_store %arg9[%parallel_loop3A_163, %parallel_loop3A_164], %parallel_loop3A_159 {strides = array<i32>} : memref<4x4096xf32, #tpu.memory_space<vmem>>, vector<16xf32>,
        %parallel_loop3A_166 = arith.constant 7 : i32
        %parallel_loop3A_167 = vector.broadcast %parallel_loop3A_166 : i32 to vector<16xi32>
        %parallel_loop3A_168 = tpu.vector_load_idx %arg7[%parallel_loop3A_167, %parallel_loop3A_138] : memref<8x4096xf32, #tpu.memory_space<vmem>>[vector<16xi32>, vector<16xi32>], vector<16xf32>,
        %parallel_loop3A_169 = arith.constant 16 : i32
        %parallel_loop3A_170 = arith.muli %parallel_loop3A_134, %parallel_loop3A_169 : i32
        %parallel_loop3A_171 = arith.constant 3 : i32
        %parallel_loop3A_172 = arith.index_cast %parallel_loop3A_171 : i32 to index
        %parallel_loop3A_173 = arith.index_cast %parallel_loop3A_170 : i32 to index
        %parallel_loop3A_174 = tpu.vector_load %arg9[%parallel_loop3A_172, %parallel_loop3A_173] {strides = array<i32>} : memref<4x4096xf32, #tpu.memory_space<vmem>>, vector<16xf32>,
        tpu.vector_store %arg9[%parallel_loop3A_172, %parallel_loop3A_173], %parallel_loop3A_168 {strides = array<i32>} : memref<4x4096xf32, #tpu.memory_space<vmem>>, vector<16xf32>,
      } {sc.loop_unroll_factor = 8 : i64, sc.parallel_access}
      %mul3A_118 = arith.constant 8 : i32
      %mul3A_119 = arith.muli %add3A_85, %mul3A_118 : i32
      %add3A_120 = arith.addi %mul3A_2, %mul3A_119 : i32
      %add3A_121 = arith.constant 4 : i32
      %add3A_122 = arith.addi %add3A_120, %add3A_121 : i32
      %dma_start3A_123 = arith.constant 0 : i32
      %dma_start3A_124 = tpu.memref_slice %arg4[%add3A_122, %dma_start3A_123] : memref<14336x4096xf32, #tpu.memory_space<hbm>> -> memref<4x4096xf32, #tpu.memory_space<hbm>>
      %dma_start3A_125 = arith.constant 0 : i32
      %dma_start3A_126 = tpu.memref_slice %arg4[%add3A_122, %dma_start3A_125] : memref<14336x4096xf32, #tpu.memory_space<hbm>> -> memref<4x4096xf32, #tpu.memory_space<hbm>>
      tpu.enqueue_dma source(%arg9 : memref<4x4096xf32, #tpu.memory_space<vmem>>) target(%dma_start3A_126 : memref<4x4096xf32, #tpu.memory_space<hbm>>) target_semaphore(%arg13 : memref<!tpu.dma_semaphore, #tpu.memory_space<semaphore_mem>>)
      %add3A_127 = arith.constant 1 : i32
      %add3A_128 = arith.addi %scan3A_34, %add3A_127 : i32
      %lt3A_129 = arith.constant 28 : i32
      %lt3A_130 = arith.cmpi slt, %add3A_128, %lt3A_129 : i32
      %convert_element_type3A_131 = arith.extui %lt3A_130 : i1 to i32
      %cond3A_132 = arith.constant 0 : i32
      %cond3A_133 = arith.cmpi ne, %convert_element_type3A_131, %cond3A_132 : i32
      scf.if %cond3A_133 {
        %add3A_134 = arith.constant 2 : i32
        %add3A_135 = arith.addi %add3A_85, %add3A_134 : i32
        %mul3A_136 = arith.constant 8 : i32
        %mul3A_137 = arith.muli %add3A_135, %mul3A_136 : i32
        %add3A_138 = arith.addi %mul3A_2, %mul3A_137 : i32
        %dma_start3A_139 = arith.constant 0 : i32
        %dma_start3A_140 = tpu.memref_slice %arg2[%add3A_138, %dma_start3A_139] : memref<16384x4096xf32, #tpu.memory_space<hbm>> -> memref<8x4096xf32, #tpu.memory_space<hbm>>
        %dma_start3A_141 = arith.constant 0 : i32
        %dma_start3A_142 = tpu.memref_slice %arg2[%add3A_138, %dma_start3A_141] : memref<16384x4096xf32, #tpu.memory_space<hbm>> -> memref<8x4096xf32, #tpu.memory_space<hbm>>
        tpu.enqueue_dma source(%dma_start3A_142 : memref<8x4096xf32, #tpu.memory_space<hbm>>) target(%arg7 : memref<8x4096xf32, #tpu.memory_space<vmem>>) target_semaphore(%arg11 : memref<!tpu.dma_semaphore, #tpu.memory_space<semaphore_mem>>)
      } else {
      }
    }
    %scan3A_18 = arith.constant 28 : i32
    %add3A_19 = arith.constant 440 : i32
    %add3A_20 = arith.addi %mul3A_2, %add3A_19 : i32
    %add3A_21 = arith.constant 0 : i32
    %add3A_22 = arith.addi %add3A_20, %add3A_21 : i32
    %dma_wait3A = arith.constant 0 : i32
    %dma_wait3A_23 = tpu.memref_slice %arg4[%add3A_22, %dma_wait3A] : memref<14336x4096xf32, #tpu.memory_space<hbm>> -> memref<4x4096xf32, #tpu.memory_space<hbm>>
    %dma_wait3A_24 = arith.constant 0 : i32
    %dma_wait3A_25 = tpu.memref_slice %arg4[%add3A_22, %dma_wait3A_24] : memref<14336x4096xf32, #tpu.memory_space<hbm>> -> memref<4x4096xf32, #tpu.memory_space<hbm>>
    tpu.wait_dma2 semaphore(%arg12 : memref<!tpu.dma_semaphore, #tpu.memory_space<semaphore_mem>>) src(%arg8 : memref<4x4096xf32, #tpu.memory_space<vmem>>) dst(%dma_wait3A_25 : memref<4x4096xf32, #tpu.memory_space<hbm>>)
    %add3A_26 = arith.constant 440 : i32
    %add3A_27 = arith.addi %mul3A_2, %add3A_26 : i32
    %add3A_28 = arith.constant 4 : i32
    %add3A_29 = arith.addi %add3A_27, %add3A_28 : i32
    %dma_wait3A_30 = arith.constant 0 : i32
    %dma_wait3A_31 = tpu.memref_slice %arg4[%add3A_29, %dma_wait3A_30] : memref<14336x4096xf32, #tpu.memory_space<hbm>> -> memref<4x4096xf32, #tpu.memory_space<hbm>>
    %dma_wait3A_32 = arith.constant 0 : i32
    %dma_wait3A_33 = tpu.memref_slice %arg4[%add3A_29, %dma_wait3A_32] : memref<14336x4096xf32, #tpu.memory_space<hbm>> -> memref<4x4096xf32, #tpu.memory_space<hbm>>
    tpu.wait_dma2 semaphore(%arg13 : memref<!tpu.dma_semaphore, #tpu.memory_space<semaphore_mem>>) src(%arg9 : memref<4x4096xf32, #tpu.memory_space<vmem>>) dst(%dma_wait3A_33 : memref<4x4096xf32, #tpu.memory_space<hbm>>)
    return
  }
}

module attributes {stable_mosaic.version = 14 : i64} {
  func.func @body(%arg0: i32, %arg1: i32, %arg2: memref<256x4096xf32, #tpu.memory_space<vmem>>, %arg3: memref<4096x1024xbf16, #tpu.memory_space<vmem>>, %arg4: memref<256x1024xf32, #tpu.memory_space<vmem>>) attributes {dimension_semantics = [#tpu.dimension_semantics<arbitrary>, #tpu.dimension_semantics<arbitrary>], iteration_bounds = array<i64: 4, 8>, scalar_prefetch = 0 : i64, scratch_operands = 0 : i64, tpu.core_type = #tpu.core_type<tc>, window_params = [{transform_indices = @transform_0, window_bounds = array<i64: 256, 4096>}, {transform_indices = @transform_1, window_bounds = array<i64: 4096, 1024>}, {transform_indices = @transform_2, window_bounds = array<i64: 256, 1024>}]} {
    %get3A = arith.constant 0 : index
    %get3A_0 = arith.constant 0 : index
    %get3A_1 = vector.load %arg2[%get3A, %get3A_0] : memref<256x4096xf32, #tpu.memory_space<vmem>>, vector<256x4096xf32>
    %convert_element_type3A = arith.truncf %get3A_1 : vector<256x4096xf32> to vector<256x4096xbf16>
    %convert_element_type3A_2 = arith.extf %convert_element_type3A : vector<256x4096xbf16> to vector<256x4096xf32>
    %sub3A = arith.subf %get3A_1, %convert_element_type3A_2 : vector<256x4096xf32>
    %convert_element_type3A_3 = arith.truncf %sub3A : vector<256x4096xf32> to vector<256x4096xbf16>
    %get3A_4 = arith.constant 0 : index
    %get3A_5 = arith.constant 0 : index
    %get3A_6 = vector.load %arg3[%get3A_4, %get3A_5] : memref<4096x1024xbf16, #tpu.memory_space<vmem>>, vector<4096x1024xbf16>
    %dot_general3A = arith.constant dense<0.000000e+00> : vector<256x1024xf32>
    %dot_general3A_7 = tpu.matmul %convert_element_type3A, %get3A_6, %dot_general3A {dimension_numbers = #tpu.dot_dimension_numbers<[1], [0], [0], [1], [0, 0, 1, 1], [], []>, transpose_lhs_hint = false} : vector<256x4096xbf16>, vector<4096x1024xbf16>, vector<256x1024xf32> -> vector<256x1024xf32>
    %dot_general3A_8 = arith.constant dense<0.000000e+00> : vector<256x1024xf32>
    %dot_general3A_9 = tpu.matmul %convert_element_type3A_3, %get3A_6, %dot_general3A_8 {dimension_numbers = #tpu.dot_dimension_numbers<[1], [0], [0], [1], [0, 0, 1, 1], [], []>, transpose_lhs_hint = false} : vector<256x4096xbf16>, vector<4096x1024xbf16>, vector<256x1024xf32> -> vector<256x1024xf32>
    %add3A = arith.addf %dot_general3A_7, %dot_general3A_9 : vector<256x1024xf32>
    %swap3A = arith.constant 0 : index
    %swap3A_10 = arith.constant 0 : index
    %swap3A_11 = vector.load %arg4[%swap3A, %swap3A_10] : memref<256x1024xf32, #tpu.memory_space<vmem>>, vector<256x1024xf32>
    tpu.vector_store %arg4[%swap3A, %swap3A_10], %add3A {strides = array<i32>} : memref<256x1024xf32, #tpu.memory_space<vmem>>, vector<256x1024xf32>,
    return
  }
  func.func @transform_0(%arg0: i32, %arg1: i32) -> (i32, i32) {
    %add3A = arith.constant 56 : i32
    %add3A_0 = arith.addi %add3A, %arg1 : i32
    %c0_i32 = arith.constant 0 : i32
    %c0_i32_1 = arith.constant 0 : i32
    return %add3A_0, %c0_i32 : i32, i32
  }
  func.func @transform_1(%arg0: i32, %arg1: i32) -> (i32, i32) {
    %c0_i32 = arith.constant 0 : i32
    %c0_i32_0 = arith.constant 0 : i32
    return %c0_i32, %arg0 : i32, i32
  }
  func.func @transform_2(%arg0: i32, %arg1: i32) -> (i32, i32) {
    %c0_i32 = arith.constant 0 : i32
    return %arg1, %arg0 : i32, i32
  }
}

</mosaic_0001>

<sc_bundles>
// kernel: kernel.4.cloned.1.call-start
scs
__scs_entry_jumppad:
0x0: {  	(pc) =	sbr.rel $0x88, $3  }
0x1: {  	(tag) =	ssettag $0x0;
	lr =	simm.s32 $0x1  }
0x2: {  	[smem:$0x3F9F] =	sst lr;
	_ =	strace $0xD0000000  }
0x3: {  	_ = 	snop  }
0x4: {  	_ = 	snop  }
0x5: {  	_ = 	snop  }
0x6: {  	_ = 	snop  }
0x7: {  	_ = 	snop  }
__scs_overlays_trampoline_lowered:
0x8: {  	[smem:$0x3FAE] =	sst s0  }
0x9: {  	[smem:$0x3FAF] =	sst s1  }
0xa: {  	[smem:$0x3FB0] =	sst s2  }
0xb: {  	[smem:$0x3FB1] =	sst s3  }
0xc: {  	[smem:$0x3FB2] =	sst s4  }
0xd: {  	[smem:$0x3FB3] =	sst s5  }
0xe: {  	[smem:$0x3FB4] =	sst s6  }
0xf: {  	[smem:$0x3FB5] =	sst s7  }
0x10: {  	[smem:$0x3FB6] =	sst s8  }
0x11: {  	[smem:$0x3FB7] =	sst s9;
	s0 =	simm.s32 @!p0 $0x0  }
0x12: {  	s1 =	sld [smem:$0x3F9D];
	s0 =	simm.s32 @p0 $0x1  }
0x13: {  	[smem:$0x3FB8] =	sst s0;
	s0 =	simm.s32 @!p1 $0x0  }
0x14: {  	s2 =	sld [smem:$0x3F9C];
	s0 =	simm.s32 @p1 $0x1  }
0x15: {  	[smem:$0x3FB9] =	sst s0;
	s0 =	simm.s32 @!p2 $0x0  }
0x16: {  	s3 =	sld [smem:$0x3FDB];
	s0 =	simm.s32 @p2 $0x1  }
0x17: {  	s4 =	simm.s32 $0x1BF5;
	[smem:$0x3FBB] =	sst s0  }
0x18: {  	s0 =	sld [smem:$0x3F9E];
	_ =	swait.ge [sflag:s4], $0x0  }
0x19: {  	s7 =	sld [smem:$0x3F9F]  }
0x1a: {  	s8 =	sadd.s32 $0xFFFFE003, lr  }
0x1b: {  	s9 =	sadd.s32 $0xFFFFFEF7, lr;
	s5 =	simm.s32 $0xFFFFFFFF;
	p2 =	slt.u32 s8, $0xFFFFF086  }
0x1c: {  	p1 =	slt.u32 s9, $0xF7A;
	s5 =	simm.s32 @!p2 $0x0  }
0x1d: {  	s5 =	simm.s32 @p1 $0x1;
	p0 =	seq.s32 s7, s2  }
0x1e: {  	s7 =	smul.u32 @!p0 $0xF7A, s2;
	p2 =	seq.s32 @!p0 s5, $0x0  }
0x1f: {  	s9 =	smul.u32 $0xF7A, s1;
	s8 =	simm.s32 @!p0 $0x1BF5;
	p2 =	por !p2, p0  }
0x20: {  	[sflag:s8] =	ssyncset.s32 @!p0 $0xFFFFF086;
	s6 =	sadd.s32 @!p0 s3, s7;
	s7 =	simm.s32 @!p0 $0x108  }
0x21: {  	s3 =	sadd.s32 s3, s9;
	s6 =	sadd.s32 @!p0 $0x88, s6;
	s7 =	simm.s32 @p2 $0x1082  }
0x22: {  	[simem:s7], [sflag:s8] =	dma.local @!p0 [hbm:s6], $0xF7A  }
0x23: {  	s9 =	sor.u32 $0xD0000000, s2;
	s6 =	simm.s32 $0x108;
	_ =	swait.ge @!p0 [sflag:s8], $0x0  }
0x24: {  	s3 =	sadd.s32 $0x88, s3;
	s6 =	simm.s32 @!p1 $0x1082;
	[sflag:s4] =	ssyncset.s32 $0xFFFFF086  }
0x25: {  	[simem:s6], [sflag:s4] =	dma.local [hbm:s3], $0xF7A  }
0x26: {  	[smem:$0x3F9F] =	sst s1;
	(tag) =	ssettag s2;
	_ =	strace s9  }
0x27: {  	s1 =	sld [smem:$0x3FAF]  }
0x28: {  	s2 =	sld [smem:$0x3FB0]  }
0x29: {  	s4 =	sld [smem:$0x3FB2]  }
0x2a: {  	p0 =	seq.s32 s5, $0x0;
	s5 =	sld [smem:$0x3FB3]  }
0x2b: {  	s6 =	sld [smem:$0x3FB4]  }
0x2c: {  	s7 =	sld [smem:$0x3FB5]  }
0x2d: {  	s3 =	simm.s32 $0x108;
	s8 =	sld [smem:$0x3FB6]  }
0x2e: {  	s3 =	simm.s32 @!p0 $0x1082;
	s9 =	sld [smem:$0x3FB7]  }
0x2f: {  	lr =	sadd.s32 s0, s3;
	s0 =	sld [smem:$0x3FAE]  }
0x30: {  	s3 =	sld [smem:$0x3FB1]  }
0x31: {  	[smem:$0x3FBA] =	sst s10  }
0x32: {  	s10 =	sld [smem:$0x3FB8];
	_ =	sdelay $0x3  }
0x33: {  	p0 =	seq.s32 s10, $0x1;
	s10 =	sld [smem:$0x3FBA];
	_ =	sdelay $0x3  }
0x34: {  	[smem:$0x3FBA] =	sst s10  }
0x35: {  	s10 =	sld [smem:$0x3FB9];
	_ =	sdelay $0x3  }
0x36: {  	p1 =	seq.s32 s10, $0x1;
	s10 =	sld [smem:$0x3FBA];
	_ =	sdelay $0x3  }
0x37: {  	[smem:$0x3FBA] =	sst s10  }
0x38: {  	s10 =	sld [smem:$0x3FBB]  }
0x39: {  	_ = 	snop;
	(pc) =	sbr.ind lr, $3  }
0x3a: {  	_ = 	snop  }
0x3b: {  	_ = 	snop  }
0x3c: {  	p2 =	seq.s32 s10, $0x1;
	s10 =	sld [smem:$0x3FBA]  }
0x3d: {  	_ =	shalt  }
0x3e: {  	_ =	shalt  }
0x3f: {  	_ =	shalt  }
0x40: {  	_ =	shalt  }
0x41: {  	_ =	shalt  }
0x42: {  	_ =	shalt  }
0x43: {  	_ =	shalt  }
0x44: {  	_ =	shalt  }
0x45: {  	_ =	shalt  }
0x46: {  	_ =	shalt  }
0x47: {  	_ =	shalt  }
0x48: {  	_ =	shalt  }
0x49: {  	_ =	shalt  }
0x4a: {  	_ =	shalt  }
0x4b: {  	_ =	shalt  }
0x4c: {  	_ =	shalt  }
0x4d: {  	_ =	shalt  }
0x4e: {  	_ =	shalt  }
0x4f: {  	_ =	shalt  }
0x50: {  	_ =	shalt  }
0x51: {  	_ =	shalt  }
0x52: {  	_ =	shalt  }
0x53: {  	_ =	shalt  }
0x54: {  	_ =	shalt  }
0x55: {  	_ =	shalt  }
0x56: {  	_ =	shalt  }
0x57: {  	_ =	shalt  }
0x58: {  	_ =	shalt  }
0x59: {  	_ =	shalt  }
0x5a: {  	_ =	shalt  }
0x5b: {  	_ =	shalt  }
0x5c: {  	_ =	shalt  }
0x5d: {  	_ =	shalt  }
0x5e: {  	_ =	shalt  }
0x5f: {  	_ =	shalt  }
0x60: {  	_ =	shalt  }
0x61: {  	_ =	shalt  }
0x62: {  	_ =	shalt  }
0x63: {  	_ =	shalt  }
0x64: {  	_ =	shalt  }
0x65: {  	_ =	shalt  }
0x66: {  	_ =	shalt  }
0x67: {  	_ =	shalt  }
0x68: {  	_ =	shalt  }
0x69: {  	_ =	shalt  }
0x6a: {  	_ =	shalt  }
0x6b: {  	_ =	shalt  }
0x6c: {  	_ =	shalt  }
0x6d: {  	_ =	shalt  }
0x6e: {  	_ =	shalt  }
0x6f: {  	_ =	shalt  }
0x70: {  	_ =	shalt  }
0x71: {  	_ =	shalt  }
0x72: {  	_ =	shalt  }
0x73: {  	_ =	shalt  }
0x74: {  	_ =	shalt  }
0x75: {  	_ =	shalt  }
0x76: {  	_ =	shalt  }
0x77: {  	_ =	shalt  }
0x78: {  	_ =	shalt  }
0x79: {  	_ =	shalt  }
0x7a: {  	_ =	shalt  }
0x7b: {  	_ =	shalt  }
0x7c: {  	_ =	shalt  }
0x7d: {  	_ =	shalt  }
0x7e: {  	_ =	shalt  }
0x7f: {  	_ =	shalt  }
0x80: {  	_ =	shalt  }
0x81: {  	_ =	shalt  }
0x82: {  	_ =	shalt  }
0x83: {  	_ =	shalt  }
0x84: {  	_ =	shalt  }
0x85: {  	_ =	shalt  }
0x86: {  	_ =	shalt  }
0x87: {  	_ =	shalt  }
.Lfunc_end0:
.L_simem_size_0:
called_computation_lowered:
.L_overlay_start_0:
0x88: {  	s2 =	sld [smem:$0x3FD9]  }
0x89: {  	s3 =	sld [smem:$0x3FFE];
	_ =	sdelay $0x1  }
0x8a: {  	s1 =	srdreg.scid  }
0x8b: {  	s0 =	sand.u32 $0x1, s1  }
0x8c: {  	s17 =	sshll.u32 s0, $0xA;
	s2 =	sadd.s32 s3, s2  }
0x8d: {  	s2 =	sadd.s32 s2, s17  }
0x8e: {  	[smem:$0x3FC6] =	sst s2  }
0x8f: {  	_ = 	snop  }
0x90: {  	s2 =	sld [smem:$0x3FC9]  }
0x91: {  	s18 =	sld [smem:$0x3FC8];
	(tm) =	ssettm $0x1  }
0x92: {  	s4 =	sld [smem:$0x3FFB];
	_ =	sdelay $0x3  }
0x93: {  	_ =	strace s4  }
0x94: {  	s4 =	sld [smem:$0x3FFC];
	_ =	sdelay $0x3  }
0x95: {  	_ =	strace s4  }
0x96: {  	s4 =	sld [smem:$0x3FFD];
	_ =	sdelay $0x3  }
0x97: {  	_ =	strace s4  }
0x98: {  	_ =	strace $0x8FFFFFFF  }
0x99: {  	s19 =	sld [smem:$0x3FDB];
	_ =	sdelay $0x1  }
0x9a: {  	s5 =	simm.s32 $_scs_section_size  }
0x9b: {  	s6 =	simm.s32 $_size__tile_overlayer_lowered;
	s7 =	simm.s32 $_tile_overlayer_lowered  }
0x9c: {  	s22 =	simm.s32 $0x1BFF;
	s21 =	sshll.u32 s7, $0x1;
	s4 =	sadd.s32 s5, s19  }
0x9d: {  	s8 =	simm.s32 $0x0;
	s20 =	sshll.u32 s6, $0x1;
	s6 =	sadd.s32 s21, s4  }
0x9e: {  	[timem:s8], [sflag:s22] =	dma.local [hbm:s6], s20  }
0x9f: {  	_ =	swait.ge [sflag:s22], s20  }
0xa0: {  	s5 =	ssub.s32 $0x0, s20;
	[sflag:s22] =	ssyncset.done $0x0  }
0xa1: {  	[sflag:s22] =	ssyncadd.s32 s5;
	_ =	sdelay $0x1  }
0xa2: {  	s23 =	simm.s32 $0x1B8B  }
0xa3: {  	_ =	swait.ge [sflag:s23], $0x1  }
0xa4: {  	[sflag:s23] =	ssyncset.done $0x0  }
0xa5: {  	s25 =	simm.s32 $0x1B8E;
	s24 =	sld [smem:$0x3FFE];
	[sflag:s23] =	ssyncadd.s32 $0xFFFFFFFF  }
0xa6: {  	s26 =	simm.s32 $execute0_lowered;
	[smem:$0x3FD2] =	sst s25  }
0xa7: {  	s6 =	sshll.u32 s26, $0x1;
	_ =	strace $0x80000046;
	[dreg:$0x1] =	wrdreg $0xFFFFFFFF  }
0xa8: {  	s28 =	simm.s32 $_size_execute0_lowered;
	s4 =	sadd.s32 s4, s6;
	[dreg:$0x0] =	wrdreg $0x0  }
0xa9: {  	s6 =	sshll.u32 s28, $0x1;
	[dreg:$0x2] =	wrdreg s4  }
0xaa: {  	[dreg:$0x3] =	wrdreg s6  }
0xab: {  	[dreg:$0x4] =	wrdreg $0xC0  }
0xac: {  	_ =	task [dreg:s8], $0x5FFFF  }
0xad: {  	[dreg:$0x1] =	wrdreg $0xFFFFFFFF  }
0xae: {  	[dreg:$0x0] =	wrdreg $0x60  }
0xaf: {  	[dreg:$0x2] =	wrdreg s2  }
0xb0: {  	[dreg:$0x3] =	wrdreg s18  }
0xb1: {  	[dreg:$0x4] =	wrdreg s24  }
0xb2: {  	[dreg:$0x5] =	wrdreg $0x9  }
0xb3: {  	_ =	task.clear_ibuf [dreg:s8], $0x6FFFF;
	_ =	strace $0x90000046  }
0xb4: {  	s29 =	simm.s32 $0x9;
	_ =	strace $0x80000048  }
0xb5: {  	_ =	swait.ge [sflag:s29], $0x1  }
0xb6: {  	[sflag:s29] =	ssyncadd.s32 $0xFFFFFFFF  }
0xb7: {  	_ =	strace $0x90000048  }
0xb8: {  	_ =	sfence  }
0xb9: {  	s30 =	sld [smem:$0x0];
	_ =	sdelay $0x2  }
0xba: {  	s31 =	sshll.u32 s1, $0xD;
	s1 =	sshrl.u32 s1, $0x2  }
0xbb: {  	s3 =	sand.u32 $0x4000, s31;
	s1 =	sadd.s32 s1, s30  }
0xbc: {  	s0 =	sor.u32 s3, s0;
	s1 =	sshll.u32 s1, $0x11  }
0xbd: {  	s0 =	sor.u32 s1, s0  }
0xbe: {  	s0 =	sadd.s32 $0x8F2B, s0  }
0xbf: {  	[sflag:s0] =	ssyncadd.remote.s32 $0x1  }
0xc0: {  	_ =	sfence.sel $0xFFFF  }
0xc1: {  	[dreg:$0x0] =	wrdreg $0xFFFFFFFF;
	(pc) =	sbr.abs _section_cstart, $3  }
0xc2: {  	[dreg:$0x1] =	wrdreg $0xFFFFFFFF  }
0xc3: {  	_ =	task.clear_ibuf [dreg:s8], $0x2FFFF;
	_ =	strace $0x9FFFFFFF  }
0xc4: {  	(tm) =	ssettm $0x7FFFFFFF  }
0xc5: {  	_ =	shalt  }
tec
execute0_lowered:
.L_overlay_start_1:
0x0: {  	(tag) =	ssettag $0x1  }
0x1: {  	s1 =	rddreg [dreg:$0x0]  }
0x2: {  	s3 =	rddreg [dreg:$0x1];
	s0 =	srdreg.scid  }
0x3: {  	s4 =	stileid.u32;
	s2 =	rddreg [dreg:$0x2];
	s14 =	simm.s32 $0x5  }
0x4: {  	s15 =	simm.s32 $0x1000;
	s16 =	simm.s32 $0x9000;
	s17 =	simm.s32 $0x1  }
0x5: {  	s18 =	simm.s32 $0x200;
	s19 =	simm.s32 $0x400;
	s20 =	simm.s32 $0x11000  }
0x6: {  	s21 =	simm.s32 $0x15000;
	s22 =	simm.s32 $0x2;
	s23 =	simm.s32 $0x3  }
0x7: {  	s24 =	simm.s32 $0x4;
	s0 =	sand.u32 $0x1, s0;
	s5 =	sshll.u32 s4, $0x1  }
0x8: {  	s25 =	simm.s32 $0x0;
	s4 =	simm.s32 $0x0;
	s5 =	sor.u32 s0, s5  }
0x9: {  	s6 =	sadd.s32 $0x600, s2;
	s0 =	ssub.s32 $0x2, s0;
	s7 =	smul.u32 $0x38000, s5  }
0xa: {  	[smem:$0x7FF] =	sst s4;
	s8 =	sshrl.u32 s0, $0x1;
	s5 =	smul.u32 $0x1C0, s5  }
0xb: {  	s9 =	sadd.s32 $0x640, s2;
	_ =	strace $0x80000047;
	s0 =	ssub.s32 s0, s8  }
0xc: {  	s7 =	sadd.s32 s1, s7;
	s10 =	sor.u32 $0x10, s5;
	s11 =	sor.u32 $0x8, s5  }
0xd: {  	s12 =	sor.u32 $0x18, s5;
	s13 =	smax.u32 s0, $0x1;
	s8 =	sadd.s32 $0x1000, s7  }
.LBB2_1:
0xe: {  	[tilespmem:s4], [sflag:$0x5] =	stream.linear.gather [hbm4b:s3+s4], $0x1000, $0x38;
	[tilespmem:$0x19000] =	vst v63  }
0xf: {  	_ =	swait.ge [sflag:s14], $0x1000  }
0x10: {  	[sflag:s14] =	ssyncset.done $0x0  }
0x11: {  	[sflag:s14] =	ssyncadd.s32 $0xFFFFF000  }
0x12: {  	[tilespmem:s15], [sflag:$0x1] =	stream.linear.gather [hbm4b:s7+s4], $0x8000, $0x38;
	[tilespmem:$0x19000] =	vst v63  }
0x13: {  	s28 =	simm.s32 $0x0  }
0x14: {  	[tilespmem:s16], [sflag:$0x2] =	stream.linear.gather [hbm4b:s8+s4], $0x8000, $0x38;
	[tilespmem:$0x19000] =	vst v63  }
.LBB2_2:
0x15: {  	_ =	swait.ge [sflag:s17], $0x8000  }
0x16: {  	p0 =	seq.s32 s28, $0x0;
	[sflag:s17] =	ssyncset.done $0x0  }
0x17: {  	s0 =	simm.s32 @!p0 $0x3;
	[sflag:s17] =	ssyncadd.s32 $0xFFFF8000  }
0x18: {  	_ =	swait.ge @!p0 [sflag:s0], $0x4000  }
0x19: {  	[sflag:s0] =	ssyncset.done @!p0 $0x0  }
0x1a: {  	s26 =	simm.s32 $0x40;
	[sflag:s0] =	ssyncadd.s32 @!p0 $0xFFFFC000  }
0x1b: {  	v0 =	vld [tilespmem:s26+$0xFFFFFFC0]  }
0x1c: {  	v1 =	vld [tilespmem:s26+$0x10]  }
0x1d: {  	v3 =	vld [tilespmem:s26+$0xFFFFFFE0]  }
0x1e: {  	v2 =	vld [tilespmem:s26+$0x0];
	_ =	sdelay $0x1  }
0x1f: {  	v6 =	vld [tilespmem:s26+$0x20]  }
0x20: {  	v7 =	vld [tilespmem:s26+$0xFFFFFFF0];
	v4 =	vshll.u32 v0, $0x3;
	v0 =	vand.u32 $0x7F, v0;
	v5 =	vshll.u32 v1, $0x3  }
0x21: {  	v1 =	vand.u32 $0x7F, v1;
	v9 =	vshll.u32 v3, $0x3;
	v4 =	vand.u32 $0xFFFFFC00, v4  }
0x22: {  	v8 =	vld [tilespmem:s26+$0xFFFFFFD0];
	v3 =	vand.u32 $0x7F, v3;
	v4 =	vor.u32 v0, v4;
	v0 =	vshll.u32 v2, $0x3  }
0x23: {  	v5 =	vand.u32 $0xFFFFFC00, v5;
	v2 =	vand.u32 $0x7F, v2;
	v0 =	vand.u32 $0xFFFFFC00, v0  }
0x24: {  	v5 =	vor.u32 v1, v5;
	v0 =	vor.u32 v2, v0;
	v2 =	vand.u32 $0xFFFFFC00, v9;
	v9 =	vld [tilespmem:s26+$0x30]  }
0x25: {  	v11 =	vand.u32 $0x7F, v7;
	v2 =	vor.u32 v3, v2;
	v3 =	vshll.u32 v6, $0x3  }
0x26: {  	v1 =	vand.u32 $0x7F, v6;
	v13 =	vor.u32 $0x80, v4;
	v3 =	vand.u32 $0xFFFFFC00, v3  }
0x27: {  	v6 =	vshll.u32 v7, $0x3;
	v10 =	vld.idx.msk [tilespmem:v4+s15+$0x0], $0xffff;
	v1 =	vor.u32 v1, v3;
	v3 =	vshll.u32 v8, $0x3  }
0x28: {  	v6 =	vand.u32 $0xFFFFFC00, v6;
	v8 =	vand.u32 $0x7F, v8;
	v3 =	vand.u32 $0xFFFFFC00, v3  }
0x29: {  	v6 =	vor.u32 v11, v6;
	v17 =	vld.idx.msk [tilespmem:v5+s15+$0x0], $0xffff;
	v7 =	vor.u32 v8, v3;
	v3 =	vshll.u32 v9, $0x3  }
0x2a: {  	v12 =	vld.idx.msk [tilespmem:v0+s15+$0x0], $0xffff;
	v8 =	vand.u32 $0x7F, v9;
	v3 =	vand.u32 $0xFFFFFC00, v3  }
0x2b: {  	s2 =	simm.s32 $0x11100;
	v11 =	vld.idx.msk [tilespmem:v2+s15+$0x0], $0xffff;
	v3 =	vor.u32 v8, v3  }
0x2c: {  	v20 =	vor.u32 $0x80, v0;
	[tilespmem:s2+$0xFFFFFF00] =	vst v10;
	v9 =	vld.idx.msk [tilespmem:v1+s15+$0x0], $0xffff  }
0x2d: {  	v18 =	vld.idx.msk [tilespmem:v13+s15+$0x0], $0xffff;
	v13 =	vor.u32 $0x80, v5  }
0x2e: {  	s30 =	simm.s32 $0xC0;
	s26 =	sshll.u32 s28, $0x4;
	v15 =	vor.u32 $0x80, v2;
	v16 =	vld.idx.msk [tilespmem:v6+s15+$0x0], $0xffff  }
0x2f: {  	s31 =	simm.s32 $0x11100;
	s0 =	simm.s32 $0x0;
	s29 =	sadd.s32 s5, s26;
	v14 =	vor.u32 $0x80, v7;
	v8 =	vor.u32 $0x80, v3;
	v10 =	vor.u32 $0x80, v1;
	v19 =	vld.idx.msk [tilespmem:v7+s15+$0x0], $0xffff  }
.LBB2_3:
0x30: {  	s0 =	sadd.s32 $0x8, s0;
	[tilespmem:s2+$0xFFFFFF40] =	vst v12;
	v12 =	vld.idx.msk [tilespmem:v3+s15+$0x0], $0xffff;
	s31 =	sadd.s32 $0x200, s31  }
0x31: {  	p1 =	slt.u32 s0, $0xF8;
	v20 =	vld.idx.msk [tilespmem:v20+s15+$0x0], $0xffff;
	[tilespmem:s2+$0xFFFFFF50] =	vst v17  }
0x32: {  	v17 =	vor.u32 $0x100, v4;
	v13 =	vld.idx.msk [tilespmem:v13+s15+$0x0], $0xffff  }
0x33: {  	v21 =	vld [tilespmem:s30+$0x10];
	[tilespmem:s2+$0xFFFFFF80] =	vst v18  }
0x34: {  	v18 =	vld [tilespmem:s30+$0xFFFFFFE0];
	[tilespmem:s2+$0xFFFFFF10] =	vst v19;
	v19 =	vor.u32 $0x80, v6  }
0x35: {  	v14 =	vld.idx.msk [tilespmem:v14+s15+$0x0], $0xffff;
	[tilespmem:s2+$0xFFFFFF20] =	vst v11  }
0x36: {  	v11 =	vld.idx.msk [tilespmem:v15+s15+$0x0], $0xffff;
	[tilespmem:s2+$0xFFFFFF70] =	vst v12  }
0x37: {  	v12 =	vld.idx.msk [tilespmem:v17+s15+$0x0], $0xffff;
	[tilespmem:s2+$0xFFFFFFC0] =	vst v20  }
0x38: {  	v15 =	vld [tilespmem:s30+$0xFFFFFFF0];
	[tilespmem:s2+$0xFFFFFF30] =	vst v16  }
0x39: {  	v16 =	vld.idx.msk [tilespmem:v19+s15+$0x0], $0xffff;
	[tilespmem:s2+$0xFFFFFFD0] =	vst v13  }
0x3a: {  	v13 =	vld [tilespmem:s30+$0xFFFFFFC0];
	[tilespmem:s2+$0xFFFFFF60] =	vst v9  }
0x3b: {  	[tilespmem:s2+$0xFFFFFF90] =	vst v14;
	v8 =	vld.idx.msk [tilespmem:v8+s15+$0x0], $0xffff  }
0x3c: {  	v9 =	vld [tilespmem:s30+$0x20];
	[tilespmem:s2+$0xFFFFFFA0] =	vst v11;
	v11 =	vor.u32 $0x100, v5  }
0x3d: {  	v14 =	vld [tilespmem:s30+$0x30];
	[tilespmem:s2+$0x0] =	vst v12;
	v12 =	vor.u32 $0x100, v7  }
0x3e: {  	v19 =	vor.u32 $0x100, v6;
	v17 =	vld [tilespmem:s30+$0xFFFFFFD0]  }
0x3f: {  	v20 =	vor.u32 $0x180, v4;
	[tilespmem:s2+$0xFFFFFFB0] =	vst v16;
	v10 =	vld.idx.msk [tilespmem:v10+s15+$0x0], $0xffff  }
0x40: {  	v22 =	vor.u32 $0x100, v2;
	v23 =	vor.u32 $0x180, v5;
	v5 =	vor.u32 $0x100, v1;
	v16 =	vld [tilespmem:s30+$0x0]  }
0x41: {  	v24 =	vor.u32 $0x100, v0;
	v4 =	vshll.u32 v13, $0x3;
	v11 =	vld.idx.msk [tilespmem:v11+s15+$0x0], $0xffff;
	[tilespmem:s2+$0xFFFFFFF0] =	vst v8;
	v8 =	vor.u32 $0x100, v3  }
0x42: {  	v4 =	vand.u32 $0xFFFFFC00, v4;
	v25 =	vand.u32 $0x7F, v14;
	v14 =	vshll.u32 v14, $0x3;
	v12 =	vld.idx.msk [tilespmem:v12+s15+$0x0], $0xffff  }
0x43: {  	v6 =	vor.u32 $0x180, v6;
	v13 =	vand.u32 $0x7F, v13;
	v14 =	vand.u32 $0xFFFFFC00, v14;
	v19 =	vld.idx.msk [tilespmem:v19+s15+$0x0], $0xffff  }
0x44: {  	v7 =	vor.u32 $0x180, v7;
	v4 =	vor.u32 v13, v4;
	v13 =	vshll.u32 v21, $0x3;
	v20 =	vld.idx.msk [tilespmem:v20+s15+$0x0], $0xffff  }
0x45: {  	v26 =	vshll.u32 v15, $0x3;
	v14 =	vor.u32 v25, v14;
	v27 =	vshll.u32 v16, $0x3;
	v22 =	vld.idx.msk [tilespmem:v22+s15+$0x0], $0xffff;
	[tilespmem:s2+$0xFFFFFFE0] =	vst v10  }
0x46: {  	v21 =	vand.u32 $0x7F, v21;
	v10 =	vand.u32 $0xFFFFFC00, v26;
	v16 =	vand.u32 $0x7F, v16;
	v25 =	vld.idx.msk [tilespmem:v5+s15+$0x0], $0xffff  }
0x47: {  	v13 =	vand.u32 $0xFFFFFC00, v13;
	v26 =	vor.u32 $0x180, v2;
	v5 =	vand.u32 $0xFFFFFC00, v27;
	[tilespmem:s2+$0x50] =	vst v11;
	v8 =	vld.idx.msk [tilespmem:v8+s15+$0x0], $0xffff  }
0x48: {  	v2 =	vshll.u32 v18, $0x3;
	v11 =	vor.u32 v16, v5;
	v5 =	vor.u32 v21, v13;
	[tilespmem:s2+$0x10] =	vst v12;
	v12 =	vld.idx.msk [tilespmem:v24+s15+$0x0], $0xffff  }
0x49: {  	v2 =	vand.u32 $0xFFFFFC00, v2;
	v13 =	vor.u32 $0x180, v3;
	v3 =	vmov v14;
	v7 =	vld.idx.msk [tilespmem:v7+s15+$0x0], $0xffff;
	[tilespmem:s2+$0x30] =	vst v19  }
0x4a: {  	v14 =	vand.u32 $0x7F, v18;
	v18 =	vor.u32 $0x180, v0;
	v0 =	vmovc v11;
	v19 =	vor.u32 $0x180, v1;
	[tilespmem:s2+$0x80] =	vst v20;
	v16 =	vld.idx.msk [tilespmem:v6+s15+$0x0], $0xffff  }
0x4b: {  	v21 =	vor.u32 $0x80, v4;
	v2 =	vor.u32 v14, v2;
	v1 =	vand.u32 $0x7F, v15;
	[tilespmem:s2+$0x20] =	vst v22;
	v11 =	vld.idx.msk [tilespmem:v23+s15+$0x0], $0xffff  }
0x4c: {  	v6 =	vor.u32 v1, v10;
	v1 =	vshll.u32 v9, $0x3;
	v10 =	vld.idx.msk [tilespmem:v26+s15+$0x0], $0xffff;
	[tilespmem:s2+$0x60] =	vst v25  }
0x4d: {  	v9 =	vand.u32 $0x7F, v9;
	v1 =	vand.u32 $0xFFFFFC00, v1;
	v15 =	vld.idx.msk [tilespmem:v4+s15+$0x0], $0xffff;
	[tilespmem:s2+$0x70] =	vst v8  }
0x4e: {  	v1 =	vor.u32 v9, v1;
	[tilespmem:s2+$0x40] =	vst v12;
	v22 =	vld.idx.msk [tilespmem:v13+s15+$0x0], $0xffff  }
0x4f: {  	v8 =	vshll.u32 v17, $0x3;
	v13 =	vor.u32 $0x80, v5;
	v12 =	vld.idx.msk [tilespmem:v0+s15+$0x0], $0xffff;
	[tilespmem:s2+$0x90] =	vst v7  }
0x50: {  	v9 =	vand.u32 $0xFFFFFC00, v8;
	v8 =	vor.u32 $0x80, v3;
	v7 =	vand.u32 $0x7F, v17;
	[tilespmem:s2+$0xB0] =	vst v16;
	v16 =	vld.idx.msk [tilespmem:v18+s15+$0x0], $0xffff  }
0x51: {  	v7 =	vor.u32 v7, v9;
	[tilespmem:s2+$0xD0] =	vst v11;
	v23 =	vld.idx.msk [tilespmem:v19+s15+$0x0], $0xffff  }
0x52: {  	v14 =	vor.u32 $0x80, v7;
	v11 =	vld.idx.msk [tilespmem:v2+s15+$0x0], $0xffff  }
.Ltmp0:
0x53: {  	[tilespmem:s31+$0xFFFFFF00] =	vst v15;
	v15 =	vor.u32 $0x80, v2;
	v17 =	vld.idx.msk [tilespmem:v5+s15+$0x0], $0xffff;
	(pc) =	sbr.rel @p1 .LBB2_3-.Ltmp0, $4  }
0x54: {  	v20 =	vor.u32 $0x80, v0;
	v9 =	vld.idx.msk [tilespmem:v1+s15+$0x0], $0xffff;
	[tilespmem:s2+$0xF0] =	vst v22  }
0x55: {  	v18 =	vld.idx.msk [tilespmem:v21+s15+$0x0], $0xffff;
	[tilespmem:s2+$0xA0] =	vst v10  }
0x56: {  	v19 =	vld.idx.msk [tilespmem:v7+s15+$0x0], $0xffff;
	[tilespmem:s2+$0xC0] =	vst v16  }
0x57: {  	s30 =	sadd.s32 $0x80, s30;
	v10 =	vor.u32 $0x80, v1;
	v16 =	vld.idx.msk [tilespmem:v6+s15+$0x0], $0xffff;
	[tilespmem:s2+$0xE0] =	vst v23;
	s2 =	smov.u32 s31  }
0x58: {  	_ =	sdelay $0x2  }
0x59: {  	[tilespmem:s2+$0xFFFFFF40] =	vst v12  }
0x5a: {  	v12 =	vld.idx.msk [tilespmem:v3+s15+$0x0], $0xffff;
	[tilespmem:s2+$0xFFFFFF50] =	vst v17  }
0x5b: {  	v43 =	vor.u32 $0x80, v6;
	[tilespmem:s2+$0xFFFFFF20] =	vst v11  }
0x5c: {  	v44 =	vor.u32 $0x100, v4;
	v13 =	vld.idx.msk [tilespmem:v13+s15+$0x0], $0xffff;
	[tilespmem:s2+$0xFFFFFF60] =	vst v9  }
0x5d: {  	v42 =	vld.idx.msk [tilespmem:v20+s15+$0x0], $0xffff;
	[tilespmem:s2+$0xFFFFFF10] =	vst v19  }
0x5e: {  	v11 =	vld.idx.msk [tilespmem:v14+s15+$0x0], $0xffff;
	[tilespmem:s2+$0xFFFFFF30] =	vst v16  }
0x5f: {  	v14 =	vor.u32 $0x100, v5;
	[tilespmem:s2+$0xFFFFFF70] =	vst v12;
	v12 =	vld.idx.msk [tilespmem:v15+s15+$0x0], $0xffff  }
0x60: {  	v45 =	vor.u32 $0x100, v7;
	[tilespmem:s2+$0xFFFFFF80] =	vst v18;
	v15 =	vld.idx.msk [tilespmem:v43+s15+$0x0], $0xffff  }
0x61: {  	v46 =	vld.idx.msk [tilespmem:v44+s15+$0x0], $0xffff;
	[tilespmem:s2+$0xFFFFFFD0] =	vst v13;
	v13 =	vor.u32 $0x100, v6  }
0x62: {  	v4 =	vor.u32 $0x180, v4;
	v9 =	vld.idx.msk [tilespmem:v10+s15+$0x0], $0xffff;
	[tilespmem:s2+$0xFFFFFFC0] =	vst v42  }
0x63: {  	v10 =	vor.u32 $0x100, v2;
	v8 =	vld.idx.msk [tilespmem:v8+s15+$0x0], $0xffff;
	[tilespmem:s2+$0xFFFFFF90] =	vst v11  }
0x64: {  	v11 =	vld.idx.msk [tilespmem:v14+s15+$0x0], $0xffff;
	v14 =	vor.u32 $0x100, v1;
	[tilespmem:s2+$0xFFFFFFA0] =	vst v12  }
0x65: {  	v47 =	vor.u32 $0x100, v0;
	[tilespmem:s2+$0xFFFFFFB0] =	vst v15;
	v15 =	vld.idx.msk [tilespmem:v45+s15+$0x0], $0xffff  }
0x66: {  	v12 =	vor.u32 $0x100, v3;
	[tilespmem:s2+$0x0] =	vst v46;
	v13 =	vld.idx.msk [tilespmem:v13+s15+$0x0], $0xffff  }
0x67: {  	v5 =	vor.u32 $0x180, v5;
	[tilespmem:s2+$0xFFFFFFE0] =	vst v9;
	v4 =	vld.idx.msk [tilespmem:v4+s15+$0x0], $0xffff  }
0x68: {  	v7 =	vor.u32 $0x180, v7;
	[tilespmem:s2+$0xFFFFFFF0] =	vst v8;
	v8 =	vld.idx.msk [tilespmem:v10+s15+$0x0], $0xffff  }
0x69: {  	v6 =	vor.u32 $0x180, v6;
	[tilespmem:s2+$0x50] =	vst v11;
	v10 =	vld.idx.msk [tilespmem:v14+s15+$0x0], $0xffff  }
0x6a: {  	v2 =	vor.u32 $0x180, v2;
	v11 =	vld.idx.msk [tilespmem:v47+s15+$0x0], $0xffff;
	[tilespmem:s2+$0x10] =	vst v15  }
0x6b: {  	v0 =	vor.u32 $0x180, v0;
	v9 =	vld.idx.msk [tilespmem:v12+s15+$0x0], $0xffff;
	[tilespmem:s2+$0x30] =	vst v13  }
0x6c: {  	v1 =	vor.u32 $0x180, v1;
	v5 =	vld.idx.msk [tilespmem:v5+s15+$0x0], $0xffff;
	[tilespmem:s2+$0x80] =	vst v4  }
0x6d: {  	v3 =	vor.u32 $0x180, v3;
	v7 =	vld.idx.msk [tilespmem:v7+s15+$0x0], $0xffff;
	[tilespmem:s2+$0x20] =	vst v8  }
0x6e: {  	v4 =	vld.idx.msk [tilespmem:v6+s15+$0x0], $0xffff;
	[tilespmem:s2+$0x60] =	vst v10  }
0x6f: {  	v2 =	vld.idx.msk [tilespmem:v2+s15+$0x0], $0xffff;
	[tilespmem:s2+$0x40] =	vst v11  }
0x70: {  	[tilespmem:s2+$0x70] =	vst v9;
	v0 =	vld.idx.msk [tilespmem:v0+s15+$0x0], $0xffff  }
0x71: {  	v1 =	vld.idx.msk [tilespmem:v1+s15+$0x0], $0xffff;
	[tilespmem:s2+$0xD0] =	vst v5  }
0x72: {  	v3 =	vld.idx.msk [tilespmem:v3+s15+$0x0], $0xffff;
	[tilespmem:s2+$0x90] =	vst v7  }
0x73: {  	[tilespmem:s2+$0xB0] =	vst v4  }
0x74: {  	[tilespmem:s2+$0xA0] =	vst v2  }
0x75: {  	[tilespmem:s2+$0xC0] =	vst v0  }
0x76: {  	s29 =	sshll.u32 s29, $0x9;
	[tilespmem:s2+$0xE0] =	vst v1  }
0x77: {  	s0 =	sadd.s32 s6, s29;
	[tilespmem:s2+$0xF0] =	vst v3  }
0x78: {  	[hbm4b:s0+s18] =	stream.strided.scatter [tilespmem:s20], [sflag:$0x3], $0x4000, s19, s18, $0x38;
	[tilespmem:$0x19000] =	vst v63  }
0x79: {  	s0 =	simm.s32 @!p0 $0x4  }
0x7a: {  	_ =	swait.ge @!p0 [sflag:s0], $0x4000  }
0x7b: {  	[sflag:s0] =	ssyncset.done @!p0 $0x0  }
0x7c: {  	s2 =	simm.s32 $0x40;
	[sflag:s0] =	ssyncadd.s32 @!p0 $0xFFFFC000  }
0x7d: {  	v0 =	vld [tilespmem:s2+$0x30];
	_ =	sdelay $0x3  }
0x7e: {  	v2 =	vld [tilespmem:s2+$0xFFFFFFC0]  }
0x7f: {  	v1 =	vshll.u32 v0, $0x3  }
0x80: {  	v0 =	vand.u32 $0x7F, v0;
	v1 =	vand.u32 $0xFFFFFC00, v1  }
0x81: {  	v1 =	vor.u32 v0, v1  }
0x82: {  	v0 =	vor.u32 $0x200, v1  }
0x83: {  	v4 =	vshll.u32 v2, $0x3  }
0x84: {  	v9 =	vld [tilespmem:s2+$0xFFFFFFF0];
	v2 =	vand.u32 $0x7F, v2;
	v4 =	vand.u32 $0xFFFFFC00, v4  }
0x85: {  	v4 =	vor.u32 v2, v4;
	v2 =	vld [tilespmem:s2+$0x10]  }
0x86: {  	v5 =	vld [tilespmem:s2+$0xFFFFFFD0]  }
0x87: {  	v0 =	vld.idx.msk [tilespmem:v0+s15+$0x0], $0xffff  }
0x88: {  	v3 =	vor.u32 $0x280, v1;
	_ =	sdelay $0x1  }
0x89: {  	v6 =	vld [tilespmem:s2+$0x0];
	v48 =	vand.u32 $0x7F, v9;
	v9 =	vshll.u32 v9, $0x3;
	v12 =	vshll.u32 v2, $0x3  }
0x8a: {  	s30 =	simm.s32 $0x15100;
	v7 =	vld [tilespmem:s2+$0x20];
	v49 =	vshll.u32 v5, $0x3;
	v2 =	vand.u32 $0x7F, v2;
	v12 =	vand.u32 $0xFFFFFC00, v12  }
0x8b: {  	v10 =	vld [tilespmem:s2+$0xFFFFFFE0];
	v5 =	vand.u32 $0x7F, v5;
	v12 =	vor.u32 v2, v12;
	[tilespmem:s30+$0xFFFFFF70] =	vst v0;
	v0 =	vor.u32 $0x200, v4  }
0x8c: {  	v9 =	vand.u32 $0xFFFFFC00, v9;
	v17 =	vand.u32 $0xFFFFFC00, v49;
	s2 =	simm.s32 $0xC0;
	v15 =	vor.u32 $0x200, v12;
	v3 =	vld.idx.msk [tilespmem:v3+s15+$0x0], $0xffff  }
0x8d: {  	v9 =	vor.u32 v48, v9;
	v8 =	vor.u32 $0x300, v1;
	v14 =	vor.u32 $0x380, v1;
	v1 =	vld [tilespmem:s2+$0x0]  }
0x8e: {  	v17 =	vor.u32 v5, v17;
	v51 =	vld [tilespmem:s2+$0x30];
	v5 =	vor.u32 $0x200, v9  }
0x8f: {  	v22 =	vld [tilespmem:s2+$0xFFFFFFC0]  }
0x90: {  	v11 =	vld.idx.msk [tilespmem:v0+s15+$0x0], $0xffff  }
0x91: {  	v13 =	vor.u32 $0x280, v4;
	v15 =	vld.idx.msk [tilespmem:v15+s15+$0x0], $0xffff;
	[tilespmem:s30+$0xFFFFFFF0] =	vst v3;
	v3 =	vshll.u32 v7, $0x3  }
0x92: {  	v21 =	vor.u32 $0x280, v12;
	v7 =	vand.u32 $0x7F, v7;
	v8 =	vld.idx.msk [tilespmem:v8+s15+$0x0], $0xffff;
	v3 =	vand.u32 $0xFFFFFC00, v3  }
0x93: {  	v5 =	vld.idx.msk [tilespmem:v5+s15+$0x0], $0xffff;
	v7 =	vor.u32 v7, v3  }
0x94: {  	v2 =	vld [tilespmem:s2+$0x10];
	v50 =	vor.u32 $0x200, v7  }
0x95: {  	v0 =	vld [tilespmem:s2+$0xFFFFFFD0];
	[tilespmem:s30+$0xFFFFFF00] =	vst v11;
	v11 =	vshll.u32 v6, $0x3  }
0x96: {  	v52 =	vor.u32 $0x200, v17;
	[tilespmem:s30+$0xFFFFFF50] =	vst v15;
	v6 =	vand.u32 $0x7F, v6;
	v13 =	vld.idx.msk [tilespmem:v13+s15+$0x0], $0xffff;
	v11 =	vand.u32 $0xFFFFFC00, v11  }
0x97: {  	v21 =	vld.idx.msk [tilespmem:v21+s15+$0x0], $0xffff;
	[tilespmem:s30+$0x70] =	vst v8;
	v6 =	vor.u32 v6, v11;
	v8 =	vor.u32 $0x300, v4  }
0x98: {  	v11 =	vld.idx.msk [tilespmem:v14+s15+$0x0], $0xffff;
	v14 =	vshll.u32 v10, $0x3;
	v53 =	vor.u32 $0x200, v6  }
0x99: {  	v55 =	vor.u32 $0x300, v12;
	v10 =	vand.u32 $0x7F, v10;
	v18 =	vld.idx.msk [tilespmem:v50+s15+$0x0], $0xffff;
	v14 =	vand.u32 $0xFFFFFC00, v14  }
0x9a: {  	v3 =	vld [tilespmem:s2+$0x20];
	v10 =	vor.u32 v10, v14;
	v14 =	vor.u32 $0x280, v7  }
0x9b: {  	v23 =	vor.u32 $0x200, v10;
	[tilespmem:s30+$0xFFFFFF80] =	vst v13;
	v13 =	vld.idx.msk [tilespmem:v52+s15+$0x0], $0xffff  }
0x9c: {  	v54 =	vor.u32 $0x280, v9;
	[tilespmem:s30+$0xFFFFFF30] =	vst v5;
	v8 =	vld.idx.msk [tilespmem:v8+s15+$0x0], $0xffff  }
0x9d: {  	v15 =	vor.u32 $0x280, v17;
	[tilespmem:s30+$0xFFFFFFD0] =	vst v21;
	v20 =	vld.idx.msk [tilespmem:v53+s15+$0x0], $0xffff  }
0x9e: {  	v4 =	vor.u32 $0x380, v4;
	[tilespmem:s30+$0xFFFFFF60] =	vst v18;
	v18 =	vld.idx.msk [tilespmem:v55+s15+$0x0], $0xffff  }
0x9f: {  	[tilespmem:s30+$0xF0] =	vst v11;
	v11 =	vor.u32 $0x280, v6;
	v14 =	vld.idx.msk [tilespmem:v14+s15+$0x0], $0xffff  }
0xa0: {  	v56 =	vor.u32 $0x300, v7;
	v23 =	vld.idx.msk [tilespmem:v23+s15+$0x0], $0xffff;
	[tilespmem:s30+$0xFFFFFF10] =	vst v13  }
0xa1: {  	v5 =	vshll.u32 v51, $0x3;
	v24 =	vor.u32 $0x280, v10;
	v13 =	vld.idx.msk [tilespmem:v54+s15+$0x0], $0xffff;
	[tilespmem:s30+$0x0] =	vst v8  }
0xa2: {  	v57 =	vor.u32 $0x300, v9;
	v5 =	vand.u32 $0xFFFFFC00, v5;
	v8 =	vld.idx.msk [tilespmem:v15+s15+$0x0], $0xffff;
	v15 =	vand.u32 $0x7F, v51;
	[tilespmem:s30+$0xFFFFFF40] =	vst v20  }
0xa3: {  	v4 =	vld.idx.msk [tilespmem:v4+s15+$0x0], $0xffff;
	v5 =	vor.u32 v15, v5;
	v15 =	vor.u32 $0x300, v17;
	[tilespmem:s30+$0x50] =	vst v18  }
0xa4: {  	v12 =	vor.u32 $0x380, v12;
	v11 =	vld.idx.msk [tilespmem:v11+s15+$0x0], $0xffff;
	[tilespmem:s30+$0xFFFFFFE0] =	vst v14  }
0xa5: {  	v58 =	vor.u32 $0x200, v5;
	[tilespmem:s30+$0xFFFFFF20] =	vst v23;
	v19 =	vld.idx.msk [tilespmem:v56+s15+$0x0], $0xffff  }
0xa6: {  	v14 =	vor.u32 $0x300, v6;
	[tilespmem:s30+$0xFFFFFFB0] =	vst v13;
	v59 =	vld.idx.msk [tilespmem:v24+s15+$0x0], $0xffff  }
0xa7: {  	v7 =	vor.u32 $0x380, v7;
	[tilespmem:s30+$0xFFFFFF90] =	vst v8;
	v8 =	vld.idx.msk [tilespmem:v57+s15+$0x0], $0xffff  }
0xa8: {  	v13 =	vor.u32 $0x300, v10;
	[tilespmem:s30+$0x80] =	vst v4;
	v4 =	vld.idx.msk [tilespmem:v15+s15+$0x0], $0xffff  }
0xa9: {  	v9 =	vor.u32 $0x380, v9;
	v12 =	vld.idx.msk [tilespmem:v12+s15+$0x0], $0xffff;
	[tilespmem:s30+$0xFFFFFFC0] =	vst v11  }
0xaa: {  	v15 =	vld.idx.msk [tilespmem:v58+s15+$0x0], $0xffff;
	[tilespmem:s30+$0x60] =	vst v19  }
0xab: {  	v11 =	vor.u32 $0x380, v17;
	v14 =	vld.idx.msk [tilespmem:v14+s15+$0x0], $0xffff;
	[tilespmem:s30+$0xFFFFFFA0] =	vst v59  }
0xac: {  	v60 =	vor.u32 $0x280, v5;
	v62 =	vld.idx.msk [tilespmem:v7+s15+$0x0], $0xffff;
	[tilespmem:s30+$0x30] =	vst v8  }
0xad: {  	v61 =	vor.u32 $0x380, v6;
	v63 =	vld.idx.msk [tilespmem:v13+s15+$0x0], $0xffff;
	[tilespmem:s30+$0x10] =	vst v4;
	v4 =	vshll.u32 v22, $0x3  }
0xae: {  	s31 =	simm.s32 $0x15300;
	[tilespmem:s30+$0xD0] =	vst v12;
	v8 =	vld.idx.msk [tilespmem:v9+s15+$0x0], $0xffff;
	v9 =	vand.u32 $0x7F, v22;
	v4 =	vand.u32 $0xFFFFFC00, v4  }
0xaf: {  	v10 =	vor.u32 $0x380, v10;
	v12 =	vld [tilespmem:s2+$0xFFFFFFF0];
	[tilespmem:s31+$0xFFFFFF70] =	vst v15;
	v4 =	vor.u32 v9, v4  }
0xb0: {  	v6 =	vld.idx.msk [tilespmem:v11+s15+$0x0], $0xffff;
	[tilespmem:s30+$0x40] =	vst v14;
	v14 =	vor.u32 $0x200, v4  }
0xb1: {  	v11 =	vld.idx.msk [tilespmem:v60+s15+$0x0], $0xffff  }
0xb2: {  	v13 =	vor.u32 $0x300, v5;
	v7 =	vld.idx.msk [tilespmem:v61+s15+$0x0], $0xffff;
	[tilespmem:s30+$0xE0] =	vst v62  }
0xb3: {  	s0 =	simm.s32 $0x8;
	v9 =	vld [tilespmem:s2+$0xFFFFFFE0];
	[tilespmem:s30+$0x20] =	vst v63  }
.LBB2_5:
0xb4: {  	s0 =	sadd.s32 $0x8, s0;
	v15 =	vor.u32 $0x280, v4;
	v16 =	vshll.u32 v3, $0x3;
	v5 =	vor.u32 $0x380, v5;
	v10 =	vld.idx.msk [tilespmem:v10+s15+$0x0], $0xffff  }
0xb5: {  	v17 =	vshll.u32 v2, $0x3;
	v3 =	vand.u32 $0x7F, v3;
	s2 =	sadd.s32 $0x80, s2;
	p0 =	slt.u32 s0, $0xF8;
	v14 =	vld.idx.msk [tilespmem:v14+s15+$0x0], $0xffff;
	v16 =	vand.u32 $0xFFFFFC00, v16;
	[tilespmem:s30+$0xB0] =	vst v8  }
0xb6: {  	v18 =	vand.u32 $0x7F, v1;
	v2 =	vand.u32 $0x7F, v2;
	v17 =	vand.u32 $0xFFFFFC00, v17;
	v8 =	vld [tilespmem:s2+$0xFFFFFFD0];
	[tilespmem:s31+$0xFFFFFFF0] =	vst v11  }
0xb7: {  	v17 =	vor.u32 v2, v17;
	v11 =	vand.u32 $0x7F, v12;
	v12 =	vshll.u32 v12, $0x3;
	v13 =	vld.idx.msk [tilespmem:v13+s15+$0x0], $0xffff;
	[tilespmem:s30+$0xC0] =	vst v7  }
0xb8: {  	v20 =	vor.u32 $0x200, v17;
	v7 =	vld [tilespmem:s2+$0x0];
	v19 =	vand.u32 $0x7F, v9;
	v12 =	vand.u32 $0xFFFFFC00, v12;
	[tilespmem:s30+$0x90] =	vst v6  }
0xb9: {  	v16 =	vor.u32 v3, v16;
	v6 =	vshll.u32 v0, $0x3;
	v9 =	vshll.u32 v9, $0x3;
	v2 =	vld [tilespmem:s2+$0x10]  }
0xba: {  	v6 =	vand.u32 $0xFFFFFC00, v6;
	v11 =	vor.u32 v11, v12;
	v12 =	vor.u32 $0x200, v16;
	v3 =	vld [tilespmem:s2+$0x20];
	[tilespmem:s30+$0xA0] =	vst v10;
	s30 =	smov.u32 s31  }
0xbb: {  	v1 =	vshll.u32 v1, $0x3;
	v9 =	vand.u32 $0xFFFFFC00, v9;
	v10 =	vld [tilespmem:s2+$0x30];
	[tilespmem:s31+$0xFFFFFF00] =	vst v14;
	v14 =	vand.u32 $0x7F, v0;
	v0 =	vmovc v8  }
0xbc: {  	v23 =	vand.u32 $0xFFFFFC00, v1;
	v8 =	vld.idx.msk [tilespmem:v15+s15+$0x0], $0xffff;
	v6 =	vor.u32 v14, v6;
	v14 =	vor.u32 $0x200, v11  }
0xbd: {  	v18 =	vor.u32 v18, v23;
	v9 =	vor.u32 v19, v9;
	v15 =	vor.u32 $0x200, v6;
	v19 =	vld.idx.msk [tilespmem:v20+s15+$0x0], $0xffff;
	[tilespmem:s31+$0x70] =	vst v13  }
0xbe: {  	v21 =	vor.u32 $0x200, v18;
	v13 =	vor.u32 $0x300, v4;
	v20 =	vor.u32 $0x200, v9;
	v1 =	vmovc v7;
	v22 =	vld.idx.msk [tilespmem:v5+s15+$0x0], $0xffff  }
0xbf: {  	v7 =	vor.u32 $0x280, v17;
	v12 =	vld.idx.msk [tilespmem:v12+s15+$0x0], $0xffff  }
0xc0: {  	v23 =	vld [tilespmem:s2+$0xFFFFFFC0];
	v5 =	vshll.u32 v10, $0x3  }
0xc1: {  	v24 =	vor.u32 $0x280, v16;
	v10 =	vand.u32 $0x7F, v10;
	v5 =	vand.u32 $0xFFFFFC00, v5;
	v14 =	vld.idx.msk [tilespmem:v14+s15+$0x0], $0xffff  }
0xc2: {  	v5 =	vor.u32 v10, v5;
	[tilespmem:s31+$0xFFFFFF80] =	vst v8;
	v8 =	vld.idx.msk [tilespmem:v15+s15+$0x0], $0xffff  }
0xc3: {  	v10 =	vld.idx.msk [tilespmem:v13+s15+$0x0], $0xffff;
	v13 =	vor.u32 $0x280, v11;
	[tilespmem:s31+$0xFFFFFF50] =	vst v19  }
0xc4: {  	v15 =	vor.u32 $0x380, v4;
	v19 =	vor.u32 $0x280, v6;
	v21 =	vld.idx.msk [tilespmem:v21+s15+$0x0], $0xffff;
	[tilespmem:s31+$0xF0] =	vst v22  }
0xc5: {  	v25 =	vor.u32 $0x280, v18;
	v22 =	vor.u32 $0x280, v9;
	v4 =	vshll.u32 v23, $0x3;
	v7 =	vld.idx.msk [tilespmem:v7+s15+$0x0], $0xffff;
	[tilespmem:s31+$0xFFFFFF60] =	vst v12  }
0xc6: {  	v12 =	vand.u32 $0x7F, v23;
	v23 =	vor.u32 $0x300, v17;
	v4 =	vand.u32 $0xFFFFFC00, v4;
	v24 =	vld.idx.msk [tilespmem:v24+s15+$0x0], $0xffff  }
0xc7: {  	v4 =	vor.u32 v12, v4;
	v12 =	vld.idx.msk [tilespmem:v20+s15+$0x0], $0xffff;
	[tilespmem:s31+$0xFFFFFF30] =	vst v14  }
0xc8: {  	[tilespmem:s31+$0xFFFFFF10] =	vst v8;
	v8 =	vld.idx.msk [tilespmem:v13+s15+$0x0], $0xffff;
	v13 =	vor.u32 $0x300, v16  }
0xc9: {  	[tilespmem:s31+$0x0] =	vst v10;
	v10 =	vld.idx.msk [tilespmem:v19+s15+$0x0], $0xffff  }
0xca: {  	v14 =	vld.idx.msk [tilespmem:v15+s15+$0x0], $0xffff;
	v15 =	vor.u32 $0x300, v11;
	[tilespmem:s31+$0xFFFFFF40] =	vst v21  }
0xcb: {  	v19 =	vor.u32 $0x300, v6;
	v20 =	vld.idx.msk [tilespmem:v25+s15+$0x0], $0xffff;
	[tilespmem:s31+$0xFFFFFFD0] =	vst v7  }
0xcc: {  	v21 =	vor.u32 $0x300, v9;
	v7 =	vor.u32 $0x200, v5;
	v25 =	vor.u32 $0x300, v18;
	v23 =	vld.idx.msk [tilespmem:v23+s15+$0x0], $0xffff;
	[tilespmem:s31+$0xFFFFFFE0] =	vst v24  }
0xcd: {  	[tilespmem:s31+$0xFFFFFF20] =	vst v12;
	v12 =	vld.idx.msk [tilespmem:v13+s15+$0x0], $0xffff  }
0xce: {  	v13 =	vld.idx.msk [tilespmem:v22+s15+$0x0], $0xffff;
	[tilespmem:s31+$0xFFFFFFB0] =	vst v8;
	v8 =	vor.u32 $0x380, v17  }
0xcf: {  	[tilespmem:s31+$0xFFFFFF90] =	vst v10;
	v15 =	vld.idx.msk [tilespmem:v15+s15+$0x0], $0xffff;
	v10 =	vor.u32 $0x380, v16  }
0xd0: {  	[tilespmem:s31+$0x80] =	vst v14;
	v14 =	vld.idx.msk [tilespmem:v19+s15+$0x0], $0xffff  }
0xd1: {  	v11 =	vor.u32 $0x380, v11;
	v7 =	vld.idx.msk [tilespmem:v7+s15+$0x0], $0xffff;
	[tilespmem:s31+$0xFFFFFFC0] =	vst v20  }
0xd2: {  	v6 =	vor.u32 $0x380, v6;
	v16 =	vld.idx.msk [tilespmem:v25+s15+$0x0], $0xffff;
	[tilespmem:s31+$0x50] =	vst v23  }
0xd3: {  	v17 =	vor.u32 $0x280, v5;
	v19 =	vld.idx.msk [tilespmem:v8+s15+$0x0], $0xffff;
	[tilespmem:s31+$0x60] =	vst v12  }
0xd4: {  	v12 =	vor.u32 $0x380, v18;
	[tilespmem:s31+$0xFFFFFFA0] =	vst v13;
	v18 =	vld.idx.msk [tilespmem:v10+s15+$0x0], $0xffff  }
0xd5: {  	v10 =	vor.u32 $0x380, v9;
	v20 =	vld.idx.msk [tilespmem:v21+s15+$0x0], $0xffff;
	[tilespmem:s31+$0x30] =	vst v15  }
0xd6: {  	s31 =	sadd.s32 $0x200, s31;
	[tilespmem:s30+$0x10] =	vst v14;
	v8 =	vld.idx.msk [tilespmem:v11+s15+$0x0], $0xffff  }
.Ltmp1:
0xd7: {  	[tilespmem:s31+$0xFFFFFF70] =	vst v7;
	v6 =	vld.idx.msk [tilespmem:v6+s15+$0x0], $0xffff;
	(pc) =	sbr.rel @p0 .LBB2_5-.Ltmp1, $4  }
0xd8: {  	v14 =	vor.u32 $0x200, v4;
	v11 =	vld.idx.msk [tilespmem:v17+s15+$0x0], $0xffff;
	[tilespmem:s30+$0x40] =	vst v16  }
0xd9: {  	v7 =	vld.idx.msk [tilespmem:v12+s15+$0x0], $0xffff;
	[tilespmem:s30+$0xD0] =	vst v19  }
0xda: {  	v13 =	vor.u32 $0x300, v5;
	v12 =	vld [tilespmem:s2+$0xFFFFFFF0];
	[tilespmem:s30+$0xE0] =	vst v18  }
0xdb: {  	v9 =	vld [tilespmem:s2+$0xFFFFFFE0];
	[tilespmem:s30+$0x20] =	vst v20  }
0xdc: {  	_ =	sdelay $0x1  }
0xdd: {  	v15 =	vor.u32 $0x280, v4  }
0xde: {  	v16 =	vshll.u32 v3, $0x3;
	v5 =	vor.u32 $0x380, v5;
	v17 =	vshll.u32 v2, $0x3  }
0xdf: {  	v14 =	vld.idx.msk [tilespmem:v14+s15+$0x0], $0xffff;
	v3 =	vand.u32 $0x7F, v3;
	v2 =	vand.u32 $0x7F, v2;
	v17 =	vand.u32 $0xFFFFFC00, v17  }
0xe0: {  	v18 =	vshll.u32 v0, $0x3;
	v16 =	vand.u32 $0xFFFFFC00, v16;
	[tilespmem:s31+$0xFFFFFFF0] =	vst v11;
	v2 =	vor.u32 v2, v17  }
0xe1: {  	v13 =	vld.idx.msk [tilespmem:v13+s15+$0x0], $0xffff;
	v11 =	vand.u32 $0x7F, v12;
	v12 =	vshll.u32 v12, $0x3;
	v17 =	vor.u32 $0x200, v2  }
0xe2: {  	v0 =	vand.u32 $0x7F, v0;
	v3 =	vor.u32 v3, v16;
	v12 =	vand.u32 $0xFFFFFC00, v12  }
0xe3: {  	v16 =	vand.u32 $0xFFFFFC00, v18;
	v11 =	vor.u32 v11, v12;
	v12 =	vor.u32 $0x200, v3  }
0xe4: {  	v10 =	vld.idx.msk [tilespmem:v10+s15+$0x0], $0xffff;
	v0 =	vor.u32 v0, v16;
	[tilespmem:s31+$0xFFFFFF00] =	vst v14;
	v14 =	vshll.u32 v1, $0x3;
	v16 =	vor.u32 $0x200, v11  }
0xe5: {  	[tilespmem:s30+$0xB0] =	vst v8;
	v1 =	vand.u32 $0x7F, v1;
	v8 =	vld.idx.msk [tilespmem:v15+s15+$0x0], $0xffff;
	v14 =	vand.u32 $0xFFFFFC00, v14;
	v15 =	vor.u32 $0x200, v0  }
0xe6: {  	v18 =	vshll.u32 v9, $0x3;
	v1 =	vor.u32 v1, v14;
	[tilespmem:s31+$0x70] =	vst v13;
	v13 =	vor.u32 $0x300, v4;
	v14 =	vld.idx.msk [tilespmem:v17+s15+$0x0], $0xffff  }
0xe7: {  	[tilespmem:s30+$0xC0] =	vst v7;
	v7 =	vand.u32 $0x7F, v9;
	v9 =	vand.u32 $0xFFFFFC00, v18;
	v17 =	vor.u32 $0x200, v1;
	v5 =	vld.idx.msk [tilespmem:v5+s15+$0x0], $0xffff  }
0xe8: {  	[tilespmem:s30+$0x90] =	vst v6;
	v6 =	vor.u32 v7, v9;
	v7 =	vor.u32 $0x280, v2;
	v9 =	vld.idx.msk [tilespmem:v12+s15+$0x0], $0xffff  }
0xe9: {  	[tilespmem:s30+$0xA0] =	vst v10;
	v10 =	vor.u32 $0x200, v6;
	v12 =	vld.idx.msk [tilespmem:v16+s15+$0x0], $0xffff  }
0xea: {  	v16 =	vor.u32 $0x280, v3;
	[tilespmem:s31+$0xFFFFFF80] =	vst v8;
	v8 =	vld.idx.msk [tilespmem:v15+s15+$0x0], $0xffff  }
0xeb: {  	v15 =	vor.u32 $0x280, v11;
	v13 =	vld.idx.msk [tilespmem:v13+s15+$0x0], $0xffff;
	[tilespmem:s31+$0xFFFFFF50] =	vst v14  }
0xec: {  	v14 =	vor.u32 $0x280, v0;
	v17 =	vld.idx.msk [tilespmem:v17+s15+$0x0], $0xffff;
	[tilespmem:s31+$0xF0] =	vst v5  }
0xed: {  	v5 =	vor.u32 $0x280, v1;
	v7 =	vld.idx.msk [tilespmem:v7+s15+$0x0], $0xffff;
	[tilespmem:s31+$0xFFFFFF60] =	vst v9  }
0xee: {  	v4 =	vor.u32 $0x380, v4;
	v9 =	vld.idx.msk [tilespmem:v10+s15+$0x0], $0xffff;
	[tilespmem:s31+$0xFFFFFF30] =	vst v12  }
0xef: {  	v10 =	vor.u32 $0x280, v6;
	v12 =	vld.idx.msk [tilespmem:v16+s15+$0x0], $0xffff;
	[tilespmem:s31+$0xFFFFFF10] =	vst v8  }
0xf0: {  	v8 =	vor.u32 $0x300, v2;
	v15 =	vld.idx.msk [tilespmem:v15+s15+$0x0], $0xffff;
	[tilespmem:s31+$0x0] =	vst v13  }
0xf1: {  	v13 =	vor.u32 $0x300, v3;
	v14 =	vld.idx.msk [tilespmem:v14+s15+$0x0], $0xffff;
	[tilespmem:s31+$0xFFFFFF40] =	vst v17  }
0xf2: {  	v16 =	vor.u32 $0x300, v11;
	v5 =	vld.idx.msk [tilespmem:v5+s15+$0x0], $0xffff;
	[tilespmem:s31+$0xFFFFFFD0] =	vst v7  }
0xf3: {  	v4 =	vld.idx.msk [tilespmem:v4+s15+$0x0], $0xffff;
	v7 =	vor.u32 $0x300, v1;
	[tilespmem:s31+$0xFFFFFF20] =	vst v9  }
0xf4: {  	v9 =	vor.u32 $0x300, v0;
	[tilespmem:s31+$0xFFFFFFE0] =	vst v12;
	v10 =	vld.idx.msk [tilespmem:v10+s15+$0x0], $0xffff  }
0xf5: {  	v12 =	vor.u32 $0x300, v6;
	v8 =	vld.idx.msk [tilespmem:v8+s15+$0x0], $0xffff;
	[tilespmem:s31+$0xFFFFFFB0] =	vst v15  }
0xf6: {  	v2 =	vor.u32 $0x380, v2;
	v13 =	vld.idx.msk [tilespmem:v13+s15+$0x0], $0xffff;
	[tilespmem:s31+$0xFFFFFF90] =	vst v14  }
0xf7: {  	v3 =	vor.u32 $0x380, v3;
	v14 =	vld.idx.msk [tilespmem:v16+s15+$0x0], $0xffff;
	[tilespmem:s31+$0xFFFFFFC0] =	vst v5  }
0xf8: {  	[tilespmem:s31+$0x80] =	vst v4;
	v4 =	vor.u32 $0x380, v11;
	v5 =	vld.idx.msk [tilespmem:v7+s15+$0x0], $0xffff  }
0xf9: {  	v1 =	vor.u32 $0x380, v1;
	v7 =	vld.idx.msk [tilespmem:v9+s15+$0x0], $0xffff;
	[tilespmem:s31+$0xFFFFFFA0] =	vst v10  }
0xfa: {  	v0 =	vor.u32 $0x380, v0;
	[tilespmem:s31+$0x50] =	vst v8;
	v8 =	vld.idx.msk [tilespmem:v12+s15+$0x0], $0xffff  }
0xfb: {  	v6 =	vor.u32 $0x380, v6;
	v2 =	vld.idx.msk [tilespmem:v2+s15+$0x0], $0xffff;
	[tilespmem:s31+$0x60] =	vst v13  }
0xfc: {  	v3 =	vld.idx.msk [tilespmem:v3+s15+$0x0], $0xffff;
	[tilespmem:s31+$0x30] =	vst v14  }
0xfd: {  	v4 =	vld.idx.msk [tilespmem:v4+s15+$0x0], $0xffff;
	[tilespmem:s31+$0x40] =	vst v5  }
0xfe: {  	[tilespmem:s31+$0x10] =	vst v7;
	v1 =	vld.idx.msk [tilespmem:v1+s15+$0x0], $0xffff  }
0xff: {  	v0 =	vld.idx.msk [tilespmem:v0+s15+$0x0], $0xffff;
	[tilespmem:s31+$0x20] =	vst v8  }
0x100: {  	[tilespmem:s31+$0xD0] =	vst v2;
	v2 =	vld.idx.msk [tilespmem:v6+s15+$0x0], $0xffff  }
0x101: {  	[tilespmem:s31+$0xE0] =	vst v3  }
0x102: {  	[tilespmem:s31+$0xB0] =	vst v4  }
0x103: {  	[tilespmem:s31+$0xC0] =	vst v1  }
0x104: {  	[tilespmem:s31+$0x90] =	vst v0  }
0x105: {  	s0 =	sadd.s32 s29, s9;
	p0 =	seq.s32 s28, $0x1B;
	[tilespmem:s31+$0xA0] =	vst v2  }
0x106: {  	[hbm4b:s0+s18] =	stream.strided.scatter [tilespmem:s21], [sflag:$0x4], $0x4000, s19, s18, $0x38;
	[tilespmem:$0x19000] =	vst v63  }
0x107: {  	s0 =	sadd.s32 @!p0 s26, s10  }
0x108: {  	s0 =	sshll.u32 @!p0 s0, $0x9  }
0x109: {  	s2 =	simm.s32 @!p0 $0x0;
	s29 =	simm.s32 @!p0 $0x1000;
	s0 =	sadd.s32 @!p0 s1, s0  }
0x10a: {  	[tilespmem:s29], [sflag:$0x1] =	stream.linear.gather @!p0 [hbm4b:s0+s2], $0x8000, $0x38;
	[tilespmem:$0x19000] =	vst v63  }
0x10b: {  	_ =	swait.ge [sflag:s22], $0x8000  }
0x10c: {  	[sflag:s22] =	ssyncset.done $0x0  }
0x10d: {  	[sflag:s22] =	ssyncadd.s32 $0xFFFF8000  }
0x10e: {  	_ =	swait.ge [sflag:s23], $0x4000  }
0x10f: {  	[sflag:s23] =	ssyncset.done $0x0  }
0x110: {  	s31 =	simm.s32 $0x40;
	[sflag:s23] =	ssyncadd.s32 $0xFFFFC000  }
0x111: {  	v0 =	vld [tilespmem:s31+$0xFFFFFFC0]  }
0x112: {  	v1 =	vld [tilespmem:s31+$0x10]  }
0x113: {  	v3 =	vld [tilespmem:s31+$0xFFFFFFE0]  }
0x114: {  	v2 =	vld [tilespmem:s31+$0x0];
	_ =	sdelay $0x1  }
0x115: {  	v6 =	vld [tilespmem:s31+$0x20]  }
0x116: {  	v7 =	vld [tilespmem:s31+$0xFFFFFFF0];
	v4 =	vshll.u32 v0, $0x3;
	v0 =	vand.u32 $0x7F, v0;
	v5 =	vshll.u32 v1, $0x3  }
0x117: {  	v1 =	vand.u32 $0x7F, v1;
	v9 =	vshll.u32 v3, $0x3;
	v4 =	vand.u32 $0xFFFFFC00, v4  }
0x118: {  	v8 =	vld [tilespmem:s31+$0xFFFFFFD0];
	v3 =	vand.u32 $0x7F, v3;
	v4 =	vor.u32 v0, v4;
	v0 =	vshll.u32 v2, $0x3  }
0x119: {  	v5 =	vand.u32 $0xFFFFFC00, v5;
	v2 =	vand.u32 $0x7F, v2;
	v0 =	vand.u32 $0xFFFFFC00, v0  }
0x11a: {  	v5 =	vor.u32 v1, v5;
	v0 =	vor.u32 v2, v0;
	v2 =	vand.u32 $0xFFFFFC00, v9;
	v9 =	vld [tilespmem:s31+$0x30]  }
0x11b: {  	v11 =	vand.u32 $0x7F, v7;
	v2 =	vor.u32 v3, v2;
	v3 =	vshll.u32 v6, $0x3  }
0x11c: {  	v1 =	vand.u32 $0x7F, v6;
	v12 =	vor.u32 $0x80, v4;
	v3 =	vand.u32 $0xFFFFFC00, v3  }
0x11d: {  	v6 =	vshll.u32 v7, $0x3;
	v10 =	vld.idx.msk [tilespmem:v4+s16+$0x0], $0xffff;
	v1 =	vor.u32 v1, v3;
	v3 =	vshll.u32 v8, $0x3  }
0x11e: {  	v6 =	vand.u32 $0xFFFFFC00, v6;
	v8 =	vand.u32 $0x7F, v8;
	v3 =	vand.u32 $0xFFFFFC00, v3  }
0x11f: {  	v6 =	vor.u32 v11, v6;
	v17 =	vld.idx.msk [tilespmem:v5+s16+$0x0], $0xffff;
	v7 =	vor.u32 v8, v3;
	v3 =	vshll.u32 v9, $0x3  }
0x120: {  	v13 =	vld.idx.msk [tilespmem:v0+s16+$0x0], $0xffff;
	v8 =	vand.u32 $0x7F, v9;
	v3 =	vand.u32 $0xFFFFFC00, v3  }
0x121: {  	s2 =	simm.s32 $0x11100;
	v11 =	vld.idx.msk [tilespmem:v2+s16+$0x0], $0xffff;
	v3 =	vor.u32 v8, v3  }
0x122: {  	v20 =	vor.u32 $0x80, v0;
	[tilespmem:s2+$0xFFFFFF00] =	vst v10;
	v9 =	vld.idx.msk [tilespmem:v1+s16+$0x0], $0xffff  }
0x123: {  	v18 =	vld.idx.msk [tilespmem:v12+s16+$0x0], $0xffff;
	v12 =	vor.u32 $0x80, v5  }
0x124: {  	s28 =	sadd.s32 $0x1, s28;
	v15 =	vor.u32 $0x80, v2;
	v16 =	vld.idx.msk [tilespmem:v6+s16+$0x0], $0xffff  }
0x125: {  	s30 =	simm.s32 $0x11100;
	s0 =	simm.s32 $0x0;
	s29 =	simm.s32 $0xC0;
	v14 =	vor.u32 $0x80, v7;
	v8 =	vor.u32 $0x80, v3;
	v10 =	vor.u32 $0x80, v1;
	v19 =	vld.idx.msk [tilespmem:v7+s16+$0x0], $0xffff  }
.LBB2_7:
0x126: {  	s0 =	sadd.s32 $0x8, s0;
	[tilespmem:s2+$0xFFFFFF40] =	vst v13;
	v13 =	vld.idx.msk [tilespmem:v3+s16+$0x0], $0xffff;
	s30 =	sadd.s32 $0x200, s30  }
0x127: {  	p1 =	slt.u32 s0, $0xF8;
	v20 =	vld.idx.msk [tilespmem:v20+s16+$0x0], $0xffff;
	[tilespmem:s2+$0xFFFFFF50] =	vst v17  }
0x128: {  	v17 =	vor.u32 $0x100, v4;
	v12 =	vld.idx.msk [tilespmem:v12+s16+$0x0], $0xffff  }
0x129: {  	v21 =	vld [tilespmem:s29+$0x10];
	[tilespmem:s2+$0xFFFFFF80] =	vst v18  }
0x12a: {  	v18 =	vld [tilespmem:s29+$0xFFFFFFE0];
	[tilespmem:s2+$0xFFFFFF10] =	vst v19;
	v19 =	vor.u32 $0x80, v6  }
0x12b: {  	v14 =	vld.idx.msk [tilespmem:v14+s16+$0x0], $0xffff;
	[tilespmem:s2+$0xFFFFFF20] =	vst v11  }
0x12c: {  	v11 =	vld.idx.msk [tilespmem:v15+s16+$0x0], $0xffff;
	[tilespmem:s2+$0xFFFFFF70] =	vst v13  }
0x12d: {  	v13 =	vld.idx.msk [tilespmem:v17+s16+$0x0], $0xffff;
	[tilespmem:s2+$0xFFFFFFC0] =	vst v20  }
0x12e: {  	v15 =	vld [tilespmem:s29+$0xFFFFFFF0];
	[tilespmem:s2+$0xFFFFFF30] =	vst v16  }
0x12f: {  	v16 =	vld.idx.msk [tilespmem:v19+s16+$0x0], $0xffff;
	[tilespmem:s2+$0xFFFFFFD0] =	vst v12  }
0x130: {  	v12 =	vld [tilespmem:s29+$0xFFFFFFC0];
	[tilespmem:s2+$0xFFFFFF60] =	vst v9  }
0x131: {  	[tilespmem:s2+$0xFFFFFF90] =	vst v14;
	v8 =	vld.idx.msk [tilespmem:v8+s16+$0x0], $0xffff  }
0x132: {  	v9 =	vld [tilespmem:s29+$0x20];
	[tilespmem:s2+$0xFFFFFFA0] =	vst v11;
	v11 =	vor.u32 $0x100, v5  }
0x133: {  	v14 =	vld [tilespmem:s29+$0x30];
	[tilespmem:s2+$0x0] =	vst v13;
	v13 =	vor.u32 $0x100, v7  }
0x134: {  	v19 =	vor.u32 $0x100, v6;
	v17 =	vld [tilespmem:s29+$0xFFFFFFD0]  }
0x135: {  	v20 =	vor.u32 $0x180, v4;
	[tilespmem:s2+$0xFFFFFFB0] =	vst v16;
	v10 =	vld.idx.msk [tilespmem:v10+s16+$0x0], $0xffff  }
0x136: {  	v22 =	vor.u32 $0x100, v2;
	v23 =	vor.u32 $0x180, v5;
	v5 =	vor.u32 $0x100, v1;
	v16 =	vld [tilespmem:s29+$0x0]  }
0x137: {  	v24 =	vor.u32 $0x100, v0;
	v4 =	vshll.u32 v12, $0x3;
	v11 =	vld.idx.msk [tilespmem:v11+s16+$0x0], $0xffff;
	[tilespmem:s2+$0xFFFFFFF0] =	vst v8;
	v8 =	vor.u32 $0x100, v3  }
0x138: {  	v4 =	vand.u32 $0xFFFFFC00, v4;
	v25 =	vand.u32 $0x7F, v14;
	v14 =	vshll.u32 v14, $0x3;
	v13 =	vld.idx.msk [tilespmem:v13+s16+$0x0], $0xffff  }
0x139: {  	v6 =	vor.u32 $0x180, v6;
	v12 =	vand.u32 $0x7F, v12;
	v14 =	vand.u32 $0xFFFFFC00, v14;
	v19 =	vld.idx.msk [tilespmem:v19+s16+$0x0], $0xffff  }
0x13a: {  	v7 =	vor.u32 $0x180, v7;
	v4 =	vor.u32 v12, v4;
	v12 =	vshll.u32 v21, $0x3;
	v20 =	vld.idx.msk [tilespmem:v20+s16+$0x0], $0xffff  }
0x13b: {  	v26 =	vshll.u32 v15, $0x3;
	v14 =	vor.u32 v25, v14;
	v27 =	vshll.u32 v16, $0x3;
	v22 =	vld.idx.msk [tilespmem:v22+s16+$0x0], $0xffff;
	[tilespmem:s2+$0xFFFFFFE0] =	vst v10  }
0x13c: {  	v21 =	vand.u32 $0x7F, v21;
	v10 =	vand.u32 $0xFFFFFC00, v26;
	v16 =	vand.u32 $0x7F, v16;
	v25 =	vld.idx.msk [tilespmem:v5+s16+$0x0], $0xffff  }
0x13d: {  	v12 =	vand.u32 $0xFFFFFC00, v12;
	v26 =	vor.u32 $0x180, v2;
	v5 =	vand.u32 $0xFFFFFC00, v27;
	[tilespmem:s2+$0x50] =	vst v11;
	v8 =	vld.idx.msk [tilespmem:v8+s16+$0x0], $0xffff  }
0x13e: {  	v2 =	vshll.u32 v18, $0x3;
	v11 =	vor.u32 v16, v5;
	v5 =	vor.u32 v21, v12;
	[tilespmem:s2+$0x10] =	vst v13;
	v12 =	vld.idx.msk [tilespmem:v24+s16+$0x0], $0xffff  }
0x13f: {  	v2 =	vand.u32 $0xFFFFFC00, v2;
	v13 =	vor.u32 $0x180, v3;
	v3 =	vmov v14;
	v7 =	vld.idx.msk [tilespmem:v7+s16+$0x0], $0xffff;
	[tilespmem:s2+$0x30] =	vst v19  }
0x140: {  	v14 =	vand.u32 $0x7F, v18;
	v18 =	vor.u32 $0x180, v0;
	v0 =	vmovc v11;
	v19 =	vor.u32 $0x180, v1;
	[tilespmem:s2+$0x80] =	vst v20;
	v16 =	vld.idx.msk [tilespmem:v6+s16+$0x0], $0xffff  }
0x141: {  	v21 =	vor.u32 $0x80, v4;
	v2 =	vor.u32 v14, v2;
	v1 =	vand.u32 $0x7F, v15;
	[tilespmem:s2+$0x20] =	vst v22;
	v11 =	vld.idx.msk [tilespmem:v23+s16+$0x0], $0xffff  }
0x142: {  	v6 =	vor.u32 v1, v10;
	v1 =	vshll.u32 v9, $0x3;
	v10 =	vld.idx.msk [tilespmem:v26+s16+$0x0], $0xffff;
	[tilespmem:s2+$0x60] =	vst v25  }
0x143: {  	v9 =	vand.u32 $0x7F, v9;
	v1 =	vand.u32 $0xFFFFFC00, v1;
	v15 =	vld.idx.msk [tilespmem:v4+s16+$0x0], $0xffff;
	[tilespmem:s2+$0x70] =	vst v8  }
0x144: {  	v1 =	vor.u32 v9, v1;
	[tilespmem:s2+$0x40] =	vst v12;
	v22 =	vld.idx.msk [tilespmem:v13+s16+$0x0], $0xffff  }
0x145: {  	v8 =	vshll.u32 v17, $0x3;
	v12 =	vor.u32 $0x80, v5;
	v13 =	vld.idx.msk [tilespmem:v0+s16+$0x0], $0xffff;
	[tilespmem:s2+$0x90] =	vst v7  }
0x146: {  	v9 =	vand.u32 $0xFFFFFC00, v8;
	v8 =	vor.u32 $0x80, v3;
	v7 =	vand.u32 $0x7F, v17;
	[tilespmem:s2+$0xB0] =	vst v16;
	v16 =	vld.idx.msk [tilespmem:v18+s16+$0x0], $0xffff  }
0x147: {  	v7 =	vor.u32 v7, v9;
	[tilespmem:s2+$0xD0] =	vst v11;
	v23 =	vld.idx.msk [tilespmem:v19+s16+$0x0], $0xffff  }
0x148: {  	v14 =	vor.u32 $0x80, v7;
	v11 =	vld.idx.msk [tilespmem:v2+s16+$0x0], $0xffff  }
.Ltmp2:
0x149: {  	[tilespmem:s30+$0xFFFFFF00] =	vst v15;
	v15 =	vor.u32 $0x80, v2;
	v17 =	vld.idx.msk [tilespmem:v5+s16+$0x0], $0xffff;
	(pc) =	sbr.rel @p1 .LBB2_7-.Ltmp2, $4  }
0x14a: {  	v20 =	vor.u32 $0x80, v0;
	v9 =	vld.idx.msk [tilespmem:v1+s16+$0x0], $0xffff;
	[tilespmem:s2+$0xF0] =	vst v22  }
0x14b: {  	v18 =	vld.idx.msk [tilespmem:v21+s16+$0x0], $0xffff;
	[tilespmem:s2+$0xA0] =	vst v10  }
0x14c: {  	v19 =	vld.idx.msk [tilespmem:v7+s16+$0x0], $0xffff;
	[tilespmem:s2+$0xC0] =	vst v16  }
0x14d: {  	s29 =	sadd.s32 $0x80, s29;
	v10 =	vor.u32 $0x80, v1;
	v16 =	vld.idx.msk [tilespmem:v6+s16+$0x0], $0xffff;
	[tilespmem:s2+$0xE0] =	vst v23;
	s2 =	smov.u32 s30  }
0x14e: {  	_ =	sdelay $0x2  }
0x14f: {  	[tilespmem:s2+$0xFFFFFF40] =	vst v13  }
0x150: {  	v13 =	vld.idx.msk [tilespmem:v3+s16+$0x0], $0xffff;
	[tilespmem:s2+$0xFFFFFF50] =	vst v17  }
0x151: {  	v43 =	vor.u32 $0x80, v6;
	[tilespmem:s2+$0xFFFFFF20] =	vst v11  }
0x152: {  	v44 =	vor.u32 $0x100, v4;
	v12 =	vld.idx.msk [tilespmem:v12+s16+$0x0], $0xffff;
	[tilespmem:s2+$0xFFFFFF60] =	vst v9  }
0x153: {  	v42 =	vld.idx.msk [tilespmem:v20+s16+$0x0], $0xffff;
	[tilespmem:s2+$0xFFFFFF10] =	vst v19  }
0x154: {  	v11 =	vld.idx.msk [tilespmem:v14+s16+$0x0], $0xffff;
	[tilespmem:s2+$0xFFFFFF30] =	vst v16  }
0x155: {  	v14 =	vor.u32 $0x100, v5;
	[tilespmem:s2+$0xFFFFFF70] =	vst v13;
	v13 =	vld.idx.msk [tilespmem:v15+s16+$0x0], $0xffff  }
0x156: {  	v45 =	vor.u32 $0x100, v7;
	[tilespmem:s2+$0xFFFFFF80] =	vst v18;
	v15 =	vld.idx.msk [tilespmem:v43+s16+$0x0], $0xffff  }
0x157: {  	v46 =	vld.idx.msk [tilespmem:v44+s16+$0x0], $0xffff;
	[tilespmem:s2+$0xFFFFFFD0] =	vst v12;
	v12 =	vor.u32 $0x100, v6  }
0x158: {  	v4 =	vor.u32 $0x180, v4;
	v9 =	vld.idx.msk [tilespmem:v10+s16+$0x0], $0xffff;
	[tilespmem:s2+$0xFFFFFFC0] =	vst v42  }
0x159: {  	v10 =	vor.u32 $0x100, v2;
	v8 =	vld.idx.msk [tilespmem:v8+s16+$0x0], $0xffff;
	[tilespmem:s2+$0xFFFFFF90] =	vst v11  }
0x15a: {  	v11 =	vld.idx.msk [tilespmem:v14+s16+$0x0], $0xffff;
	v14 =	vor.u32 $0x100, v1;
	[tilespmem:s2+$0xFFFFFFA0] =	vst v13  }
0x15b: {  	v47 =	vor.u32 $0x100, v0;
	[tilespmem:s2+$0xFFFFFFB0] =	vst v15;
	v15 =	vld.idx.msk [tilespmem:v45+s16+$0x0], $0xffff  }
0x15c: {  	v13 =	vor.u32 $0x100, v3;
	[tilespmem:s2+$0x0] =	vst v46;
	v12 =	vld.idx.msk [tilespmem:v12+s16+$0x0], $0xffff  }
0x15d: {  	v5 =	vor.u32 $0x180, v5;
	[tilespmem:s2+$0xFFFFFFE0] =	vst v9;
	v4 =	vld.idx.msk [tilespmem:v4+s16+$0x0], $0xffff  }
0x15e: {  	v7 =	vor.u32 $0x180, v7;
	[tilespmem:s2+$0xFFFFFFF0] =	vst v8;
	v8 =	vld.idx.msk [tilespmem:v10+s16+$0x0], $0xffff  }
0x15f: {  	v6 =	vor.u32 $0x180, v6;
	[tilespmem:s2+$0x50] =	vst v11;
	v10 =	vld.idx.msk [tilespmem:v14+s16+$0x0], $0xffff  }
0x160: {  	v2 =	vor.u32 $0x180, v2;
	v11 =	vld.idx.msk [tilespmem:v47+s16+$0x0], $0xffff;
	[tilespmem:s2+$0x10] =	vst v15  }
0x161: {  	v0 =	vor.u32 $0x180, v0;
	v9 =	vld.idx.msk [tilespmem:v13+s16+$0x0], $0xffff;
	[tilespmem:s2+$0x30] =	vst v12  }
0x162: {  	v1 =	vor.u32 $0x180, v1;
	v5 =	vld.idx.msk [tilespmem:v5+s16+$0x0], $0xffff;
	[tilespmem:s2+$0x80] =	vst v4  }
0x163: {  	v3 =	vor.u32 $0x180, v3;
	v7 =	vld.idx.msk [tilespmem:v7+s16+$0x0], $0xffff;
	[tilespmem:s2+$0x20] =	vst v8  }
0x164: {  	v4 =	vld.idx.msk [tilespmem:v6+s16+$0x0], $0xffff;
	[tilespmem:s2+$0x60] =	vst v10  }
0x165: {  	v2 =	vld.idx.msk [tilespmem:v2+s16+$0x0], $0xffff;
	[tilespmem:s2+$0x40] =	vst v11  }
0x166: {  	[tilespmem:s2+$0x70] =	vst v9;
	v0 =	vld.idx.msk [tilespmem:v0+s16+$0x0], $0xffff  }
0x167: {  	v1 =	vld.idx.msk [tilespmem:v1+s16+$0x0], $0xffff;
	[tilespmem:s2+$0xD0] =	vst v5  }
0x168: {  	v3 =	vld.idx.msk [tilespmem:v3+s16+$0x0], $0xffff;
	[tilespmem:s2+$0x90] =	vst v7  }
0x169: {  	[tilespmem:s2+$0xB0] =	vst v4  }
0x16a: {  	s0 =	sadd.s32 s26, s11;
	[tilespmem:s2+$0xA0] =	vst v2  }
0x16b: {  	s0 =	sshll.u32 s0, $0x9;
	[tilespmem:s2+$0xC0] =	vst v0  }
0x16c: {  	s29 =	sand.u32 $0x1FFFF000, s0;
	[tilespmem:s2+$0xE0] =	vst v1  }
0x16d: {  	s0 =	sadd.s32 s6, s29;
	[tilespmem:s2+$0xF0] =	vst v3  }
0x16e: {  	[hbm4b:s0+s18] =	stream.strided.scatter [tilespmem:s20], [sflag:$0x3], $0x4000, s19, s18, $0x38;
	[tilespmem:$0x19000] =	vst v63  }
0x16f: {  	_ =	swait.ge [sflag:s24], $0x4000  }
0x170: {  	[sflag:s24] =	ssyncset.done $0x0  }
0x171: {  	s2 =	simm.s32 $0x40;
	[sflag:s24] =	ssyncadd.s32 $0xFFFFC000  }
0x172: {  	v0 =	vld [tilespmem:s2+$0x30];
	_ =	sdelay $0x3  }
0x173: {  	v2 =	vld [tilespmem:s2+$0xFFFFFFC0]  }
0x174: {  	v1 =	vshll.u32 v0, $0x3  }
0x175: {  	v0 =	vand.u32 $0x7F, v0;
	v1 =	vand.u32 $0xFFFFFC00, v1  }
0x176: {  	v1 =	vor.u32 v0, v1  }
0x177: {  	v0 =	vor.u32 $0x200, v1  }
0x178: {  	v4 =	vshll.u32 v2, $0x3  }
0x179: {  	v9 =	vld [tilespmem:s2+$0xFFFFFFF0];
	v2 =	vand.u32 $0x7F, v2;
	v4 =	vand.u32 $0xFFFFFC00, v4  }
0x17a: {  	v4 =	vor.u32 v2, v4;
	v2 =	vld [tilespmem:s2+$0x10]  }
0x17b: {  	v5 =	vld [tilespmem:s2+$0xFFFFFFD0]  }
0x17c: {  	v0 =	vld.idx.msk [tilespmem:v0+s16+$0x0], $0xffff  }
0x17d: {  	v3 =	vor.u32 $0x280, v1;
	_ =	sdelay $0x1  }
0x17e: {  	v6 =	vld [tilespmem:s2+$0x0];
	v48 =	vand.u32 $0x7F, v9;
	v9 =	vshll.u32 v9, $0x3;
	v12 =	vshll.u32 v2, $0x3  }
0x17f: {  	s30 =	simm.s32 $0x15100;
	v7 =	vld [tilespmem:s2+$0x20];
	v49 =	vshll.u32 v5, $0x3;
	v2 =	vand.u32 $0x7F, v2;
	v12 =	vand.u32 $0xFFFFFC00, v12  }
0x180: {  	v10 =	vld [tilespmem:s2+$0xFFFFFFE0];
	v5 =	vand.u32 $0x7F, v5;
	v12 =	vor.u32 v2, v12;
	[tilespmem:s30+$0xFFFFFF70] =	vst v0;
	v0 =	vor.u32 $0x200, v4  }
0x181: {  	v9 =	vand.u32 $0xFFFFFC00, v9;
	v17 =	vand.u32 $0xFFFFFC00, v49;
	s2 =	simm.s32 $0xC0;
	v15 =	vor.u32 $0x200, v12;
	v3 =	vld.idx.msk [tilespmem:v3+s16+$0x0], $0xffff  }
0x182: {  	v9 =	vor.u32 v48, v9;
	v8 =	vor.u32 $0x300, v1;
	v14 =	vor.u32 $0x380, v1;
	v1 =	vld [tilespmem:s2+$0x0]  }
0x183: {  	v17 =	vor.u32 v5, v17;
	v51 =	vld [tilespmem:s2+$0x30];
	v5 =	vor.u32 $0x200, v9  }
0x184: {  	v22 =	vld [tilespmem:s2+$0xFFFFFFC0]  }
0x185: {  	v11 =	vld.idx.msk [tilespmem:v0+s16+$0x0], $0xffff  }
0x186: {  	v13 =	vor.u32 $0x280, v4;
	v15 =	vld.idx.msk [tilespmem:v15+s16+$0x0], $0xffff;
	[tilespmem:s30+$0xFFFFFFF0] =	vst v3;
	v3 =	vshll.u32 v7, $0x3  }
0x187: {  	v21 =	vor.u32 $0x280, v12;
	v7 =	vand.u32 $0x7F, v7;
	v8 =	vld.idx.msk [tilespmem:v8+s16+$0x0], $0xffff;
	v3 =	vand.u32 $0xFFFFFC00, v3  }
0x188: {  	v5 =	vld.idx.msk [tilespmem:v5+s16+$0x0], $0xffff;
	v7 =	vor.u32 v7, v3  }
0x189: {  	v2 =	vld [tilespmem:s2+$0x10];
	v50 =	vor.u32 $0x200, v7  }
0x18a: {  	v0 =	vld [tilespmem:s2+$0xFFFFFFD0];
	[tilespmem:s30+$0xFFFFFF00] =	vst v11;
	v11 =	vshll.u32 v6, $0x3  }
0x18b: {  	v52 =	vor.u32 $0x200, v17;
	[tilespmem:s30+$0xFFFFFF50] =	vst v15;
	v6 =	vand.u32 $0x7F, v6;
	v13 =	vld.idx.msk [tilespmem:v13+s16+$0x0], $0xffff;
	v11 =	vand.u32 $0xFFFFFC00, v11  }
0x18c: {  	v21 =	vld.idx.msk [tilespmem:v21+s16+$0x0], $0xffff;
	[tilespmem:s30+$0x70] =	vst v8;
	v6 =	vor.u32 v6, v11;
	v8 =	vor.u32 $0x300, v4  }
0x18d: {  	v11 =	vld.idx.msk [tilespmem:v14+s16+$0x0], $0xffff;
	v14 =	vshll.u32 v10, $0x3;
	v53 =	vor.u32 $0x200, v6  }
0x18e: {  	v55 =	vor.u32 $0x300, v12;
	v10 =	vand.u32 $0x7F, v10;
	v18 =	vld.idx.msk [tilespmem:v50+s16+$0x0], $0xffff;
	v14 =	vand.u32 $0xFFFFFC00, v14  }
0x18f: {  	v3 =	vld [tilespmem:s2+$0x20];
	v10 =	vor.u32 v10, v14;
	v14 =	vor.u32 $0x280, v7  }
0x190: {  	v23 =	vor.u32 $0x200, v10;
	[tilespmem:s30+$0xFFFFFF80] =	vst v13;
	v13 =	vld.idx.msk [tilespmem:v52+s16+$0x0], $0xffff  }
0x191: {  	v54 =	vor.u32 $0x280, v9;
	[tilespmem:s30+$0xFFFFFF30] =	vst v5;
	v8 =	vld.idx.msk [tilespmem:v8+s16+$0x0], $0xffff  }
0x192: {  	v15 =	vor.u32 $0x280, v17;
	[tilespmem:s30+$0xFFFFFFD0] =	vst v21;
	v20 =	vld.idx.msk [tilespmem:v53+s16+$0x0], $0xffff  }
0x193: {  	v4 =	vor.u32 $0x380, v4;
	[tilespmem:s30+$0xFFFFFF60] =	vst v18;
	v18 =	vld.idx.msk [tilespmem:v55+s16+$0x0], $0xffff  }
0x194: {  	[tilespmem:s30+$0xF0] =	vst v11;
	v11 =	vor.u32 $0x280, v6;
	v14 =	vld.idx.msk [tilespmem:v14+s16+$0x0], $0xffff  }
0x195: {  	v56 =	vor.u32 $0x300, v7;
	v23 =	vld.idx.msk [tilespmem:v23+s16+$0x0], $0xffff;
	[tilespmem:s30+$0xFFFFFF10] =	vst v13  }
0x196: {  	v5 =	vshll.u32 v51, $0x3;
	v24 =	vor.u32 $0x280, v10;
	v13 =	vld.idx.msk [tilespmem:v54+s16+$0x0], $0xffff;
	[tilespmem:s30+$0x0] =	vst v8  }
0x197: {  	v57 =	vor.u32 $0x300, v9;
	v5 =	vand.u32 $0xFFFFFC00, v5;
	v8 =	vld.idx.msk [tilespmem:v15+s16+$0x0], $0xffff;
	v15 =	vand.u32 $0x7F, v51;
	[tilespmem:s30+$0xFFFFFF40] =	vst v20  }
0x198: {  	v4 =	vld.idx.msk [tilespmem:v4+s16+$0x0], $0xffff;
	v5 =	vor.u32 v15, v5;
	v15 =	vor.u32 $0x300, v17;
	[tilespmem:s30+$0x50] =	vst v18  }
0x199: {  	v12 =	vor.u32 $0x380, v12;
	v11 =	vld.idx.msk [tilespmem:v11+s16+$0x0], $0xffff;
	[tilespmem:s30+$0xFFFFFFE0] =	vst v14  }
0x19a: {  	v58 =	vor.u32 $0x200, v5;
	[tilespmem:s30+$0xFFFFFF20] =	vst v23;
	v19 =	vld.idx.msk [tilespmem:v56+s16+$0x0], $0xffff  }
0x19b: {  	v14 =	vor.u32 $0x300, v6;
	[tilespmem:s30+$0xFFFFFFB0] =	vst v13;
	v59 =	vld.idx.msk [tilespmem:v24+s16+$0x0], $0xffff  }
0x19c: {  	v7 =	vor.u32 $0x380, v7;
	[tilespmem:s30+$0xFFFFFF90] =	vst v8;
	v8 =	vld.idx.msk [tilespmem:v57+s16+$0x0], $0xffff  }
0x19d: {  	v13 =	vor.u32 $0x300, v10;
	[tilespmem:s30+$0x80] =	vst v4;
	v4 =	vld.idx.msk [tilespmem:v15+s16+$0x0], $0xffff  }
0x19e: {  	v9 =	vor.u32 $0x380, v9;
	v12 =	vld.idx.msk [tilespmem:v12+s16+$0x0], $0xffff;
	[tilespmem:s30+$0xFFFFFFC0] =	vst v11  }
0x19f: {  	v15 =	vld.idx.msk [tilespmem:v58+s16+$0x0], $0xffff;
	[tilespmem:s30+$0x60] =	vst v19  }
0x1a0: {  	v11 =	vor.u32 $0x380, v17;
	v14 =	vld.idx.msk [tilespmem:v14+s16+$0x0], $0xffff;
	[tilespmem:s30+$0xFFFFFFA0] =	vst v59  }
0x1a1: {  	v60 =	vor.u32 $0x280, v5;
	v62 =	vld.idx.msk [tilespmem:v7+s16+$0x0], $0xffff;
	[tilespmem:s30+$0x30] =	vst v8  }
0x1a2: {  	v61 =	vor.u32 $0x380, v6;
	v63 =	vld.idx.msk [tilespmem:v13+s16+$0x0], $0xffff;
	[tilespmem:s30+$0x10] =	vst v4;
	v4 =	vshll.u32 v22, $0x3  }
0x1a3: {  	s31 =	simm.s32 $0x15300;
	[tilespmem:s30+$0xD0] =	vst v12;
	v8 =	vld.idx.msk [tilespmem:v9+s16+$0x0], $0xffff;
	v9 =	vand.u32 $0x7F, v22;
	v4 =	vand.u32 $0xFFFFFC00, v4  }
0x1a4: {  	v10 =	vor.u32 $0x380, v10;
	v12 =	vld [tilespmem:s2+$0xFFFFFFF0];
	[tilespmem:s31+$0xFFFFFF70] =	vst v15;
	v4 =	vor.u32 v9, v4  }
0x1a5: {  	v6 =	vld.idx.msk [tilespmem:v11+s16+$0x0], $0xffff;
	[tilespmem:s30+$0x40] =	vst v14;
	v14 =	vor.u32 $0x200, v4  }
0x1a6: {  	v11 =	vld.idx.msk [tilespmem:v60+s16+$0x0], $0xffff  }
0x1a7: {  	v13 =	vor.u32 $0x300, v5;
	v7 =	vld.idx.msk [tilespmem:v61+s16+$0x0], $0xffff;
	[tilespmem:s30+$0xE0] =	vst v62  }
0x1a8: {  	s0 =	simm.s32 $0x8;
	v9 =	vld [tilespmem:s2+$0xFFFFFFE0];
	[tilespmem:s30+$0x20] =	vst v63  }
.LBB2_9:
0x1a9: {  	s0 =	sadd.s32 $0x8, s0;
	v15 =	vor.u32 $0x280, v4;
	v16 =	vshll.u32 v3, $0x3;
	v5 =	vor.u32 $0x380, v5;
	v10 =	vld.idx.msk [tilespmem:v10+s16+$0x0], $0xffff  }
0x1aa: {  	v17 =	vshll.u32 v2, $0x3;
	v3 =	vand.u32 $0x7F, v3;
	s2 =	sadd.s32 $0x80, s2;
	p1 =	slt.u32 s0, $0xF8;
	v14 =	vld.idx.msk [tilespmem:v14+s16+$0x0], $0xffff;
	v16 =	vand.u32 $0xFFFFFC00, v16;
	[tilespmem:s30+$0xB0] =	vst v8  }
0x1ab: {  	v18 =	vand.u32 $0x7F, v1;
	v2 =	vand.u32 $0x7F, v2;
	v17 =	vand.u32 $0xFFFFFC00, v17;
	v8 =	vld [tilespmem:s2+$0xFFFFFFD0];
	[tilespmem:s31+$0xFFFFFFF0] =	vst v11  }
0x1ac: {  	v17 =	vor.u32 v2, v17;
	v11 =	vand.u32 $0x7F, v12;
	v12 =	vshll.u32 v12, $0x3;
	v13 =	vld.idx.msk [tilespmem:v13+s16+$0x0], $0xffff;
	[tilespmem:s30+$0xC0] =	vst v7  }
0x1ad: {  	v20 =	vor.u32 $0x200, v17;
	v7 =	vld [tilespmem:s2+$0x0];
	v19 =	vand.u32 $0x7F, v9;
	v12 =	vand.u32 $0xFFFFFC00, v12;
	[tilespmem:s30+$0x90] =	vst v6  }
0x1ae: {  	v16 =	vor.u32 v3, v16;
	v6 =	vshll.u32 v0, $0x3;
	v9 =	vshll.u32 v9, $0x3;
	v2 =	vld [tilespmem:s2+$0x10]  }
0x1af: {  	v6 =	vand.u32 $0xFFFFFC00, v6;
	v11 =	vor.u32 v11, v12;
	v12 =	vor.u32 $0x200, v16;
	v3 =	vld [tilespmem:s2+$0x20];
	[tilespmem:s30+$0xA0] =	vst v10;
	s30 =	smov.u32 s31  }
0x1b0: {  	v1 =	vshll.u32 v1, $0x3;
	v9 =	vand.u32 $0xFFFFFC00, v9;
	v10 =	vld [tilespmem:s2+$0x30];
	[tilespmem:s31+$0xFFFFFF00] =	vst v14;
	v14 =	vand.u32 $0x7F, v0;
	v0 =	vmovc v8  }
0x1b1: {  	v23 =	vand.u32 $0xFFFFFC00, v1;
	v8 =	vld.idx.msk [tilespmem:v15+s16+$0x0], $0xffff;
	v6 =	vor.u32 v14, v6;
	v14 =	vor.u32 $0x200, v11  }
0x1b2: {  	v18 =	vor.u32 v18, v23;
	v9 =	vor.u32 v19, v9;
	v15 =	vor.u32 $0x200, v6;
	v19 =	vld.idx.msk [tilespmem:v20+s16+$0x0], $0xffff;
	[tilespmem:s31+$0x70] =	vst v13  }
0x1b3: {  	v21 =	vor.u32 $0x200, v18;
	v13 =	vor.u32 $0x300, v4;
	v20 =	vor.u32 $0x200, v9;
	v1 =	vmovc v7;
	v22 =	vld.idx.msk [tilespmem:v5+s16+$0x0], $0xffff  }
0x1b4: {  	v7 =	vor.u32 $0x280, v17;
	v12 =	vld.idx.msk [tilespmem:v12+s16+$0x0], $0xffff  }
0x1b5: {  	v23 =	vld [tilespmem:s2+$0xFFFFFFC0];
	v5 =	vshll.u32 v10, $0x3  }
0x1b6: {  	v24 =	vor.u32 $0x280, v16;
	v10 =	vand.u32 $0x7F, v10;
	v5 =	vand.u32 $0xFFFFFC00, v5;
	v14 =	vld.idx.msk [tilespmem:v14+s16+$0x0], $0xffff  }
0x1b7: {  	v5 =	vor.u32 v10, v5;
	[tilespmem:s31+$0xFFFFFF80] =	vst v8;
	v8 =	vld.idx.msk [tilespmem:v15+s16+$0x0], $0xffff  }
0x1b8: {  	v10 =	vld.idx.msk [tilespmem:v13+s16+$0x0], $0xffff;
	v13 =	vor.u32 $0x280, v11;
	[tilespmem:s31+$0xFFFFFF50] =	vst v19  }
0x1b9: {  	v15 =	vor.u32 $0x380, v4;
	v19 =	vor.u32 $0x280, v6;
	v21 =	vld.idx.msk [tilespmem:v21+s16+$0x0], $0xffff;
	[tilespmem:s31+$0xF0] =	vst v22  }
0x1ba: {  	v25 =	vor.u32 $0x280, v18;
	v22 =	vor.u32 $0x280, v9;
	v4 =	vshll.u32 v23, $0x3;
	v7 =	vld.idx.msk [tilespmem:v7+s16+$0x0], $0xffff;
	[tilespmem:s31+$0xFFFFFF60] =	vst v12  }
0x1bb: {  	v12 =	vand.u32 $0x7F, v23;
	v23 =	vor.u32 $0x300, v17;
	v4 =	vand.u32 $0xFFFFFC00, v4;
	v24 =	vld.idx.msk [tilespmem:v24+s16+$0x0], $0xffff  }
0x1bc: {  	v4 =	vor.u32 v12, v4;
	v12 =	vld.idx.msk [tilespmem:v20+s16+$0x0], $0xffff;
	[tilespmem:s31+$0xFFFFFF30] =	vst v14  }
0x1bd: {  	[tilespmem:s31+$0xFFFFFF10] =	vst v8;
	v8 =	vld.idx.msk [tilespmem:v13+s16+$0x0], $0xffff;
	v13 =	vor.u32 $0x300, v16  }
0x1be: {  	[tilespmem:s31+$0x0] =	vst v10;
	v10 =	vld.idx.msk [tilespmem:v19+s16+$0x0], $0xffff  }
0x1bf: {  	v14 =	vld.idx.msk [tilespmem:v15+s16+$0x0], $0xffff;
	v15 =	vor.u32 $0x300, v11;
	[tilespmem:s31+$0xFFFFFF40] =	vst v21  }
0x1c0: {  	v19 =	vor.u32 $0x300, v6;
	v20 =	vld.idx.msk [tilespmem:v25+s16+$0x0], $0xffff;
	[tilespmem:s31+$0xFFFFFFD0] =	vst v7  }
0x1c1: {  	v21 =	vor.u32 $0x300, v9;
	v7 =	vor.u32 $0x200, v5;
	v25 =	vor.u32 $0x300, v18;
	v23 =	vld.idx.msk [tilespmem:v23+s16+$0x0], $0xffff;
	[tilespmem:s31+$0xFFFFFFE0] =	vst v24  }
0x1c2: {  	[tilespmem:s31+$0xFFFFFF20] =	vst v12;
	v12 =	vld.idx.msk [tilespmem:v13+s16+$0x0], $0xffff  }
0x1c3: {  	v13 =	vld.idx.msk [tilespmem:v22+s16+$0x0], $0xffff;
	[tilespmem:s31+$0xFFFFFFB0] =	vst v8;
	v8 =	vor.u32 $0x380, v17  }
0x1c4: {  	[tilespmem:s31+$0xFFFFFF90] =	vst v10;
	v15 =	vld.idx.msk [tilespmem:v15+s16+$0x0], $0xffff;
	v10 =	vor.u32 $0x380, v16  }
0x1c5: {  	[tilespmem:s31+$0x80] =	vst v14;
	v14 =	vld.idx.msk [tilespmem:v19+s16+$0x0], $0xffff  }
0x1c6: {  	v11 =	vor.u32 $0x380, v11;
	v7 =	vld.idx.msk [tilespmem:v7+s16+$0x0], $0xffff;
	[tilespmem:s31+$0xFFFFFFC0] =	vst v20  }
0x1c7: {  	v6 =	vor.u32 $0x380, v6;
	v16 =	vld.idx.msk [tilespmem:v25+s16+$0x0], $0xffff;
	[tilespmem:s31+$0x50] =	vst v23  }
0x1c8: {  	v17 =	vor.u32 $0x280, v5;
	v19 =	vld.idx.msk [tilespmem:v8+s16+$0x0], $0xffff;
	[tilespmem:s31+$0x60] =	vst v12  }
0x1c9: {  	v12 =	vor.u32 $0x380, v18;
	[tilespmem:s31+$0xFFFFFFA0] =	vst v13;
	v18 =	vld.idx.msk [tilespmem:v10+s16+$0x0], $0xffff  }
0x1ca: {  	v10 =	vor.u32 $0x380, v9;
	v20 =	vld.idx.msk [tilespmem:v21+s16+$0x0], $0xffff;
	[tilespmem:s31+$0x30] =	vst v15  }
0x1cb: {  	s31 =	sadd.s32 $0x200, s31;
	[tilespmem:s30+$0x10] =	vst v14;
	v8 =	vld.idx.msk [tilespmem:v11+s16+$0x0], $0xffff  }
.Ltmp3:
0x1cc: {  	[tilespmem:s31+$0xFFFFFF70] =	vst v7;
	v6 =	vld.idx.msk [tilespmem:v6+s16+$0x0], $0xffff;
	(pc) =	sbr.rel @p1 .LBB2_9-.Ltmp3, $4  }
0x1cd: {  	v14 =	vor.u32 $0x200, v4;
	v11 =	vld.idx.msk [tilespmem:v17+s16+$0x0], $0xffff;
	[tilespmem:s30+$0x40] =	vst v16  }
0x1ce: {  	v7 =	vld.idx.msk [tilespmem:v12+s16+$0x0], $0xffff;
	[tilespmem:s30+$0xD0] =	vst v19  }
0x1cf: {  	v13 =	vor.u32 $0x300, v5;
	v12 =	vld [tilespmem:s2+$0xFFFFFFF0];
	[tilespmem:s30+$0xE0] =	vst v18  }
0x1d0: {  	v9 =	vld [tilespmem:s2+$0xFFFFFFE0];
	[tilespmem:s30+$0x20] =	vst v20  }
0x1d1: {  	_ =	sdelay $0x1  }
0x1d2: {  	v15 =	vor.u32 $0x280, v4;
	v16 =	vshll.u32 v3, $0x3;
	v5 =	vor.u32 $0x380, v5  }
0x1d3: {  	v17 =	vshll.u32 v2, $0x3;
	v21 =	vand.u32 $0x7F, v3;
	v22 =	vand.u32 $0x7F, v2  }
0x1d4: {  	v14 =	vld.idx.msk [tilespmem:v14+s16+$0x0], $0xffff;
	v18 =	vshll.u32 v0, $0x3;
	v27 =	vand.u32 $0x7F, v0;
	v17 =	vand.u32 $0xFFFFFC00, v17  }
0x1d5: {  	v28 =	vshll.u32 v1, $0x3;
	v30 =	vand.u32 $0x7F, v1;
	[tilespmem:s31+$0xFFFFFFF0] =	vst v11;
	v2 =	vor.u32 v22, v17  }
0x1d6: {  	v16 =	vand.u32 $0xFFFFFC00, v16;
	v25 =	vand.u32 $0xFFFFFC00, v18;
	v13 =	vld.idx.msk [tilespmem:v13+s16+$0x0], $0xffff;
	v17 =	vor.u32 $0x200, v2  }
0x1d7: {  	v3 =	vor.u32 v21, v16;
	v0 =	vor.u32 v27, v25;
	v24 =	vshll.u32 v12, $0x3  }
0x1d8: {  	v23 =	vand.u32 $0x7F, v12;
	v26 =	vor.u32 $0x200, v3;
	v12 =	vand.u32 $0xFFFFFC00, v24  }
0x1d9: {  	v10 =	vld.idx.msk [tilespmem:v10+s16+$0x0], $0xffff;
	v35 =	vor.u32 $0x300, v4;
	v32 =	vor.u32 $0x200, v0;
	v11 =	vor.u32 v23, v12;
	[tilespmem:s31+$0xFFFFFF00] =	vst v14  }
0x1da: {  	[tilespmem:s30+$0xB0] =	vst v8;
	v33 =	vshll.u32 v9, $0x3;
	v14 =	vand.u32 $0xFFFFFC00, v28;
	v29 =	vor.u32 $0x200, v11;
	v31 =	vld.idx.msk [tilespmem:v15+s16+$0x0], $0xffff  }
0x1db: {  	v36 =	vand.u32 $0x7F, v9;
	v37 =	vand.u32 $0xFFFFFC00, v33;
	v1 =	vor.u32 v30, v14;
	[tilespmem:s31+$0x70] =	vst v13;
	v34 =	vld.idx.msk [tilespmem:v17+s16+$0x0], $0xffff  }
0x1dc: {  	[tilespmem:s30+$0x90] =	vst v6;
	v39 =	vor.u32 v36, v37;
	v38 =	vor.u32 $0x200, v1;
	v5 =	vld.idx.msk [tilespmem:v5+s16+$0x0], $0xffff  }
0x1dd: {  	[tilespmem:s30+$0xC0] =	vst v7;
	v42 =	vor.u32 $0x200, v39;
	v41 =	vld.idx.msk [tilespmem:v26+s16+$0x0], $0xffff  }
0x1de: {  	v40 =	vor.u32 $0x280, v2;
	[tilespmem:s30+$0xA0] =	vst v10;
	v45 =	vld.idx.msk [tilespmem:v32+s16+$0x0], $0xffff  }
0x1df: {  	v44 =	vor.u32 $0x280, v3;
	v43 =	vld.idx.msk [tilespmem:v29+s16+$0x0], $0xffff;
	[tilespmem:s31+$0xFFFFFF80] =	vst v31  }
0x1e0: {  	v47 =	vor.u32 $0x280, v0;
	v13 =	vld.idx.msk [tilespmem:v35+s16+$0x0], $0xffff;
	[tilespmem:s31+$0xFFFFFF50] =	vst v34  }
0x1e1: {  	v46 =	vor.u32 $0x280, v11;
	v17 =	vld.idx.msk [tilespmem:v38+s16+$0x0], $0xffff;
	[tilespmem:s31+$0xF0] =	vst v5  }
0x1e2: {  	v48 =	vor.u32 $0x280, v1;
	v50 =	vld.idx.msk [tilespmem:v42+s16+$0x0], $0xffff;
	[tilespmem:s31+$0xFFFFFF60] =	vst v41  }
0x1e3: {  	v49 =	vor.u32 $0x380, v4;
	[tilespmem:s31+$0xFFFFFF10] =	vst v45;
	v7 =	vld.idx.msk [tilespmem:v40+s16+$0x0], $0xffff  }
0x1e4: {  	v51 =	vor.u32 $0x280, v39;
	v52 =	vld.idx.msk [tilespmem:v44+s16+$0x0], $0xffff;
	[tilespmem:s31+$0xFFFFFF30] =	vst v43  }
0x1e5: {  	v53 =	vor.u32 $0x300, v2;
	v14 =	vld.idx.msk [tilespmem:v47+s16+$0x0], $0xffff;
	[tilespmem:s31+$0x0] =	vst v13  }
0x1e6: {  	v54 =	vor.u32 $0x300, v3;
	v15 =	vld.idx.msk [tilespmem:v46+s16+$0x0], $0xffff;
	[tilespmem:s31+$0xFFFFFF40] =	vst v17  }
0x1e7: {  	v57 =	vor.u32 $0x300, v0;
	[tilespmem:s31+$0xFFFFFF20] =	vst v50;
	v5 =	vld.idx.msk [tilespmem:v48+s16+$0x0], $0xffff  }
0x1e8: {  	v55 =	vor.u32 $0x300, v11;
	v4 =	vld.idx.msk [tilespmem:v49+s16+$0x0], $0xffff;
	[tilespmem:s31+$0xFFFFFFD0] =	vst v7  }
0x1e9: {  	v56 =	vor.u32 $0x300, v1;
	v10 =	vld.idx.msk [tilespmem:v51+s16+$0x0], $0xffff;
	[tilespmem:s31+$0xFFFFFFE0] =	vst v52  }
0x1ea: {  	v58 =	vor.u32 $0x300, v39;
	[tilespmem:s31+$0xFFFFFF90] =	vst v14;
	v8 =	vld.idx.msk [tilespmem:v53+s16+$0x0], $0xffff  }
0x1eb: {  	v2 =	vor.u32 $0x380, v2;
	v13 =	vld.idx.msk [tilespmem:v54+s16+$0x0], $0xffff;
	[tilespmem:s31+$0xFFFFFFB0] =	vst v15  }
0x1ec: {  	v3 =	vor.u32 $0x380, v3;
	v61 =	vld.idx.msk [tilespmem:v57+s16+$0x0], $0xffff;
	[tilespmem:s31+$0xFFFFFFC0] =	vst v5  }
0x1ed: {  	v0 =	vor.u32 $0x380, v0;
	v59 =	vld.idx.msk [tilespmem:v55+s16+$0x0], $0xffff;
	[tilespmem:s31+$0x80] =	vst v4  }
0x1ee: {  	v60 =	vor.u32 $0x380, v11;
	[tilespmem:s31+$0xFFFFFFA0] =	vst v10;
	v5 =	vld.idx.msk [tilespmem:v56+s16+$0x0], $0xffff  }
0x1ef: {  	v1 =	vor.u32 $0x380, v1;
	v62 =	vld.idx.msk [tilespmem:v58+s16+$0x0], $0xffff;
	[tilespmem:s31+$0x50] =	vst v8  }
0x1f0: {  	v6 =	vor.u32 $0x380, v39;
	[tilespmem:s31+$0x60] =	vst v13;
	v2 =	vld.idx.msk [tilespmem:v2+s16+$0x0], $0xffff  }
0x1f1: {  	[tilespmem:s31+$0x10] =	vst v61;
	v3 =	vld.idx.msk [tilespmem:v3+s16+$0x0], $0xffff  }
0x1f2: {  	v0 =	vld.idx.msk [tilespmem:v0+s16+$0x0], $0xffff;
	[tilespmem:s31+$0x30] =	vst v59  }
0x1f3: {  	v4 =	vld.idx.msk [tilespmem:v60+s16+$0x0], $0xffff;
	[tilespmem:s31+$0x40] =	vst v5  }
0x1f4: {  	[tilespmem:s31+$0x20] =	vst v62;
	v1 =	vld.idx.msk [tilespmem:v1+s16+$0x0], $0xffff  }
0x1f5: {  	v63 =	vld.idx.msk [tilespmem:v6+s16+$0x0], $0xffff;
	[tilespmem:s31+$0xD0] =	vst v2  }
0x1f6: {  	[tilespmem:s31+$0xE0] =	vst v3  }
0x1f7: {  	[tilespmem:s31+$0x90] =	vst v0  }
0x1f8: {  	[tilespmem:s31+$0xB0] =	vst v4  }
0x1f9: {  	[tilespmem:s31+$0xC0] =	vst v1  }
0x1fa: {  	s0 =	sadd.s32 s29, s9;
	[tilespmem:s31+$0xA0] =	vst v63  }
0x1fb: {  	[hbm4b:s0+s18] =	stream.strided.scatter [tilespmem:s21], [sflag:$0x4], $0x4000, s19, s18, $0x38;
	[tilespmem:$0x19000] =	vst v63  }
0x1fc: {  	s0 =	sadd.s32 @!p0 s26, s12  }
0x1fd: {  	s2 =	simm.s32 @!p0 $0x0;
	s0 =	sshll.u32 @!p0 s0, $0x9  }
0x1fe: {  	p1 =	sne.s32 @!p0 s28, $0x1C;
	s26 =	simm.s32 @!p0 $0x9000;
	s0 =	sadd.s32 @!p0 s1, s0  }
0x1ff: {  	[tilespmem:s26], [sflag:$0x2] =	stream.linear.gather @!p0 [hbm4b:s0+s2], $0x8000, $0x38;
	[tilespmem:$0x19000] =	vst v63  }
0x200: {  	p0 =	por p0, !p1  }
.Ltmp4:
0x201: {  	_ = 	snop;
	(pc) =	sbr.rel @!p0 .LBB2_2-.Ltmp4, $1  }
0x202: {  	_ =	sdelay $0x3  }
0x203: {  	s25 =	sadd.s32 $0x1, s25  }
0x204: {  	_ =	swait.ge [sflag:s23], $0x4000;
	p0 =	sne.s32 s25, s13  }
.Ltmp5:
0x205: {  	[sflag:s23] =	ssyncset.done $0x0;
	(pc) =	sbr.rel @p0 .LBB2_1-.Ltmp5, $4  }
0x206: {  	[sflag:s23] =	ssyncadd.s32 $0xFFFFC000  }
0x207: {  	_ =	swait.ge [sflag:s24], $0x4000  }
0x208: {  	[sflag:s24] =	ssyncset.done $0x0  }
0x209: {  	[sflag:s24] =	ssyncadd.s32 $0xFFFFC000  }
0x20a: {  	_ =	sfence.sel $0x180000  }
0x20b: {  	[bflag:$0x0] =	sbarrier.arrive $0xFFFF  }
0x20c: {  	_ =	strace $0x90000047  }
0x20d: {  	s0 =	stileid.u32;
	[bflag:$0x2] =	sbarrier.arrive $0xFFFF  }
0x20e: {  	p0 =	sne.s32 s0, $0x0;
	s0 =	rddreg [dreg:$0x3]  }
0x20f: {  	s0 =	sadd.s32 @!p0 $0x100000, s0  }
0x210: {  	[sflag:s0] =	ssyncadd.tile.s32 @!p0 $0x1;
	_ =	shalt  }
.Lfunc_end2:
_tile_overlayer_lowered:
.L_overlay_start_2:
0x211: {  	(tag) =	ssettag $0x2  }
0x212: {  	s0 =	rddreg [dreg:$0x0];
	s2 =	stileid.u32  }
0x213: {  	s1 =	rddreg [dreg:$0x1];
	p0 =	sne.s32 s2, $0x0  }
0x214: {  	s3 =	rddreg [dreg:$0x2];
	[bflag:$0x3] =	sbarrier.arrive $0xFFFF;
	s2 =	simm.s32 @!p0 $0x1C05  }
0x215: {  	[timem:s3], [sflag:s2] =	dma.local @!p0 [hbm:s0], s1  }
0x216: {  	s0 =	simm.s32 @!p0 $0x5  }
0x217: {  	_ =	swait.ge @!p0 [sflag:s0], s1  }
0x218: {  	s1 =	ssub.s32 @!p0 $0x0, s1;
	[sflag:s0] =	ssyncset.done @!p0 $0x0  }
0x219: {  	[sflag:s0] =	ssyncadd.s32 @!p0 s1  }
0x21a: {  	[bflag:$0x3] =	sbarrier.arrive $0xFFFF  }
0x21b: {  	_ =	shalt  }

</sc_bundles>
